<compile_context>
chip_gen: v7x
topology: tpu7x:2x2x1
jax: 0.10.2.dev20260603
libtpu: 0.0.44.dev20260713+nightly
codegen_flags: <defaults>
</compile_context>

<pallas_src>
import functools

import jax
import jax.numpy as jnp
from jax import lax
from jax.experimental import pallas as pl
from jax.experimental.pallas import tpu as pltpu
from jax.experimental.pallas import tpu_sc as plsc

N_TOK = 8192
D = 2048
BT = 512
LANES = 16
NC, NS = 2, 16
NW = NC * NS
ROWS_W = N_TOK // NW
CH = 8
NCHUNK = ROWS_W // CH
KV = D // LANES


def _lane_shuffle(s, p):
    return lax.gather(
        s, p[:, None],
        lax.GatherDimensionNumbers(
            offset_dims=(), collapsed_slice_dims=(0,), start_index_map=(0,)),
        slice_sizes=(1,),
        mode=lax.GatherScatterMode.PROMISE_IN_BOUNDS)


def _expert_tile(x_ref, w_ref, x0_ref, x1_ref):
    x = x_ref[...]
    w = w_ref[...]
    s = jnp.dot(x, w, preferred_element_type=jnp.float32)
    d = s[:, 1:2] - s[:, 0:1]
    g1 = jax.nn.sigmoid(d)
    g0 = 1.0 - g1
    pick1 = d > 0.0
    x0_ref[...] = x * jnp.where(pick1, 0.0, g0)
    x1_ref[...] = x * jnp.where(pick1, g1, 0.0)


_sc_mesh = plsc.VectorSubcoreMesh(
    core_axis_name="c", subcore_axis_name="s", num_cores=NC, num_subcores=NS
)


@functools.partial(
    pl.kernel,
    out_type=jax.ShapeDtypeStruct((N_TOK, D), jnp.float32),
    mesh=_sc_mesh,
    scratch_types=[
        pltpu.VMEM((2, CH, D), jnp.float32),
        pltpu.VMEM((2, CH, D), jnp.float32),
        pltpu.VMEM((D,), jnp.float32),
        pltpu.SemaphoreType.DMA((2,)),
        pltpu.SemaphoreType.DMA((2,)),
    ],
)
def _sc_out(x_hbm, wd_hbm, out_hbm, xv, ov, wdv, sin, sout):
    wid = lax.axis_index("s") * NC + lax.axis_index("c")
    base = wid * ROWS_W
    pltpu.sync_copy(wd_hbm, wdv)
    iot = lax.iota(jnp.int32, LANES)
    perms = [iot ^ sh for sh in (8, 4, 2, 1)]

    def cp_in(c, b):
        return pltpu.make_async_copy(
            x_hbm.at[pl.ds(base + c * CH, CH)], xv.at[b], sin.at[b])

    def cp_out(c, b):
        return pltpu.make_async_copy(
            ov.at[b], out_hbm.at[pl.ds(base + c * CH, CH)], sout.at[b])

    def compute(b):
        def dot_body(k, accs):
            o = k * LANES
            wdc = wdv[pl.ds(o, LANES)]
            return tuple(
                accs[r] + xv[b, r, pl.ds(o, LANES)] * wdc for r in range(CH))

        accs = lax.fori_loop(
            0, KV, dot_body,
            tuple(jnp.zeros((LANES,), jnp.float32) for _ in range(CH)))
        wvs = []
        for r in range(CH):
            s = accs[r]
            for p in perms:
                s = s + _lane_shuffle(s, p)
            wvs.append(1.0 / (1.0 + jnp.exp(-jnp.abs(s))))

        def scale_body(k, _):
            o = k * LANES
            for r in range(CH):
                ov[b, r, pl.ds(o, LANES)] = xv[b, r, pl.ds(o, LANES)] * wvs[r]
            return 0

        lax.fori_loop(0, KV, scale_body, 0)

    cp_in(0, 0).start()
    cp_in(1, 1).start()

    def outer(g, _):
        for b in range(2):
            c = 2 * g + b
            cp_in(c, b).wait()

            @pl.when(g > 0)
            def _wait_prev_out():
                cp_out(c, b).wait()

            compute(b)
            cp_out(c, b).start()

            @pl.when(c + 2 < NCHUNK)
            def _start_next_in():
                cp_in(c + 2, b).start()
        return 0

    lax.fori_loop(0, NCHUNK // 2, outer, 0)
    cp_out(0, 0).wait()
    cp_out(0, 1).wait()


def kernel(x, W):
    wd = W[:, 1] - W[:, 0]
    out = _sc_out(x, wd)
    grid = (N_TOK // BT,)
    shp = jax.ShapeDtypeStruct((N_TOK, D), x.dtype)
    x0, x1 = pl.pallas_call(
        _expert_tile,
        grid=grid,
        in_specs=[
            pl.BlockSpec((BT, D), lambda i: (i, 0)),
            pl.BlockSpec((D, 2), lambda i: (0, 0)),
        ],
        out_specs=[
            pl.BlockSpec((BT, D), lambda i: (i, 0)),
            pl.BlockSpec((BT, D), lambda i: (i, 0)),
        ],
        out_shape=[shp, shp],
    )(x, W)
    return (x0, x1, out)

# --- scband reference (transcript-rebuilt; emitter-appended) ---
"""Pipeline reference for scband-sparse-router-model-53970559042117 (READ-ONLY COPY).

The authoritative reference and input builder live on the scoring server;
editing this copy changes nothing except your own understanding.
"""

import jax, jax.numpy as jnp
import numpy as np

N_TOKENS = 8192
D_MODEL = 2048
DST_NUM = 2


def setup_inputs(seed: int = 0) -> dict:
    key = jax.random.key(seed)
    kx, kw = jax.random.split(key)
    x = jax.random.normal(kx, (N_TOKENS, D_MODEL), dtype=jnp.float32)
    # Learned router gate weight (route_func = linear layer + softmax over dst_num)
    W = jax.random.normal(kw, (D_MODEL, DST_NUM), dtype=jnp.float32) * (1.0 / np.sqrt(D_MODEL))
    return {"x": x, "W": W}


def reference(x, W):
    # ScatterRouter(dst_num=2, route_func, route_method='topk') with top-1 dispatch.
    # route_func: softmax over a linear gate producing [N, dst_num] scores.
    scores = x @ W                                  # [N, 2]
    gates = jax.nn.softmax(scores, axis=-1)         # [N, 2]
    dst = jnp.argmax(gates, axis=-1)                # top-1 destination per token
    mask = jax.nn.one_hot(dst, DST_NUM, dtype=x.dtype)  # [N, 2] dispatch mask
    # Dense (zero-padded) scatter: token rows not routed to an expert are zeroed.
    # Gate value multiplies the dispatched activations (standard MoE weighting,
    # keeps the router differentiable).
    w0 = (mask[:, 0] * gates[:, 0])[:, None]
    w1 = (mask[:, 1] * gates[:, 1])[:, None]
    x_0 = x * w0                                    # expert1 = Identity
    x_1 = x * w1                                    # expert2 = Identity
    # GatherRouter(dst_num=2): merge expert outputs back to original token order (sum).
    out = x_0 + x_1
    return (x_0, x_1, out)

if __name__ == "__main__":
    import jax
    _d = setup_inputs()
    print(jax.jit(kernel)(*tuple(_d.values())))

</pallas_src>

<mosaic_0001>
#map = affine_map<(d0, d1) -> (0, 0)>
#map1 = affine_map<(d0, d1) -> (0)>
module attributes {stable_mosaic.version = 14 : i64} {
  func.func @_sc_out(%arg0: i32, %arg1: i32, %arg2: memref<8192x2048xf32, #tpu.memory_space<hbm>>, %arg3: memref<2048xf32, #tpu.memory_space<hbm>>, %arg4: memref<8192x2048xf32, #tpu.memory_space<hbm>>, %arg5: memref<2x8x2048xf32, #tpu.memory_space<vmem>>, %arg6: memref<2x8x2048xf32, #tpu.memory_space<vmem>>, %arg7: memref<2048xf32, #tpu.memory_space<vmem>>, %arg8: memref<2x!tpu.dma_semaphore, #tpu.memory_space<semaphore_mem>>, %arg9: memref<2x!tpu.dma_semaphore, #tpu.memory_space<semaphore_mem>>) attributes {dimension_semantics = [#tpu.dimension_semantics<core_parallel>, #tpu.dimension_semantics<subcore_parallel>], iteration_bounds = array<i64: 2, 16>, scalar_prefetch = 0 : i64, scratch_operands = 5 : i64, tpu.core_type = #tpu.core_type<sc_vector_subcore>, window_params = [{transform_indices = #map}, {transform_indices = #map1}, {transform_indices = #map}]} {
    %mul3A = arith.constant 2 : i32
    %mul3A_0 = arith.muli %arg1, %mul3A : i32
    %add3A = arith.addi %mul3A_0, %arg0 : i32
    %mul3A_1 = arith.constant 256 : i32
    %mul3A_2 = arith.muli %add3A, %mul3A_1 : i32
    "tpu.region"() ({
      %run_scoped3A = tpu.sem_alloc : memref<!tpu.dma_semaphore, #tpu.memory_space<semaphore_mem>>
      tpu.enqueue_dma source(%arg3 : memref<2048xf32, #tpu.memory_space<hbm>>) target(%arg7 : memref<2048xf32, #tpu.memory_space<vmem>>) target_semaphore(%run_scoped3A : memref<!tpu.dma_semaphore, #tpu.memory_space<semaphore_mem>>)
      tpu.wait_dma2 semaphore(%run_scoped3A : memref<!tpu.dma_semaphore, #tpu.memory_space<semaphore_mem>>) src(%arg3 : memref<2048xf32, #tpu.memory_space<hbm>>) dst(%arg7 : memref<2048xf32, #tpu.memory_space<vmem>>)
      tpu.yield
    }) : () -> ()
    %iota3A = tpu.iota {dimensions = array<i32: 0>} : vector<16xi32>
    %xor3A = arith.constant 8 : i32
    %xor3A_3 = vector.broadcast %xor3A : i32 to vector<16xi32>
    %xor3A_4 = arith.xori %iota3A, %xor3A_3 : vector<16xi32>
    %xor3A_5 = arith.constant 4 : i32
    %xor3A_6 = vector.broadcast %xor3A_5 : i32 to vector<16xi32>
    %xor3A_7 = arith.xori %iota3A, %xor3A_6 : vector<16xi32>
    %xor3A_8 = arith.constant 2 : i32
    %xor3A_9 = vector.broadcast %xor3A_8 : i32 to vector<16xi32>
    %xor3A_10 = arith.xori %iota3A, %xor3A_9 : vector<16xi32>
    %xor3A_11 = arith.constant 1 : i32
    %xor3A_12 = vector.broadcast %xor3A_11 : i32 to vector<16xi32>
    %xor3A_13 = arith.xori %iota3A, %xor3A_12 : vector<16xi32>
    %add3A_14 = arith.constant 0 : i32
    %add3A_15 = arith.addi %mul3A_2, %add3A_14 : i32
    %dma_start3A = arith.constant 0 : i32
    %dma_start3A_16 = arith.constant 0 : i32
    %dma_start3A_17 = arith.constant 0 : i32
    %dma_start3A_18 = arith.constant 0 : i32
    %dma_start3A_19 = tpu.memref_slice %arg5[%dma_start3A, %dma_start3A_17, %dma_start3A_18] : memref<2x8x2048xf32, #tpu.memory_space<vmem>> -> memref<1x8x2048xf32, #tpu.memory_space<vmem>>
    %dma_start3A_20 = tpu.memref_squeeze %dma_start3A_19 : memref<1x8x2048xf32, #tpu.memory_space<vmem>> -> memref<8x2048xf32, #tpu.memory_space<vmem>>
    %dma_start3A_21 = arith.constant 0 : i32
    %dma_start3A_22 = tpu.memref_slice %arg2[%add3A_15, %dma_start3A_21] : memref<8192x2048xf32, #tpu.memory_space<hbm>> -> memref<8x2048xf32, #tpu.memory_space<hbm>>
    %dma_start3A_23 = tpu.memref_slice %arg8[%dma_start3A_16] : memref<2x!tpu.dma_semaphore, #tpu.memory_space<semaphore_mem>> -> memref<1x!tpu.dma_semaphore, #tpu.memory_space<semaphore_mem>>
    %dma_start3A_24 = tpu.memref_squeeze %dma_start3A_23 : memref<1x!tpu.dma_semaphore, #tpu.memory_space<semaphore_mem>> -> memref<!tpu.dma_semaphore, #tpu.memory_space<semaphore_mem>>
    %dma_start3A_25 = arith.constant 0 : i32
    %dma_start3A_26 = arith.constant 0 : i32
    %dma_start3A_27 = tpu.memref_slice %arg5[%dma_start3A, %dma_start3A_25, %dma_start3A_26] : memref<2x8x2048xf32, #tpu.memory_space<vmem>> -> memref<1x8x2048xf32, #tpu.memory_space<vmem>>
    %dma_start3A_28 = tpu.memref_squeeze %dma_start3A_27 : memref<1x8x2048xf32, #tpu.memory_space<vmem>> -> memref<8x2048xf32, #tpu.memory_space<vmem>>
    %dma_start3A_29 = arith.constant 0 : i32
    %dma_start3A_30 = tpu.memref_slice %arg2[%add3A_15, %dma_start3A_29] : memref<8192x2048xf32, #tpu.memory_space<hbm>> -> memref<8x2048xf32, #tpu.memory_space<hbm>>
    tpu.enqueue_dma source(%dma_start3A_30 : memref<8x2048xf32, #tpu.memory_space<hbm>>) target(%dma_start3A_28 : memref<8x2048xf32, #tpu.memory_space<vmem>>) target_semaphore(%dma_start3A_24 : memref<!tpu.dma_semaphore, #tpu.memory_space<semaphore_mem>>)
    %add3A_31 = arith.constant 8 : i32
    %add3A_32 = arith.addi %mul3A_2, %add3A_31 : i32
    %dma_start3A_33 = arith.constant 1 : i32
    %dma_start3A_34 = arith.constant 1 : i32
    %dma_start3A_35 = arith.constant 0 : i32
    %dma_start3A_36 = arith.constant 0 : i32
    %dma_start3A_37 = tpu.memref_slice %arg5[%dma_start3A_33, %dma_start3A_35, %dma_start3A_36] : memref<2x8x2048xf32, #tpu.memory_space<vmem>> -> memref<1x8x2048xf32, #tpu.memory_space<vmem>>
    %dma_start3A_38 = tpu.memref_squeeze %dma_start3A_37 : memref<1x8x2048xf32, #tpu.memory_space<vmem>> -> memref<8x2048xf32, #tpu.memory_space<vmem>>
    %dma_start3A_39 = arith.constant 0 : i32
    %dma_start3A_40 = tpu.memref_slice %arg2[%add3A_32, %dma_start3A_39] : memref<8192x2048xf32, #tpu.memory_space<hbm>> -> memref<8x2048xf32, #tpu.memory_space<hbm>>
    %dma_start3A_41 = tpu.memref_slice %arg8[%dma_start3A_34] : memref<2x!tpu.dma_semaphore, #tpu.memory_space<semaphore_mem>> -> memref<1x!tpu.dma_semaphore, #tpu.memory_space<semaphore_mem>>
    %dma_start3A_42 = tpu.memref_squeeze %dma_start3A_41 : memref<1x!tpu.dma_semaphore, #tpu.memory_space<semaphore_mem>> -> memref<!tpu.dma_semaphore, #tpu.memory_space<semaphore_mem>>
    %dma_start3A_43 = arith.constant 0 : i32
    %dma_start3A_44 = arith.constant 0 : i32
    %dma_start3A_45 = tpu.memref_slice %arg5[%dma_start3A_33, %dma_start3A_43, %dma_start3A_44] : memref<2x8x2048xf32, #tpu.memory_space<vmem>> -> memref<1x8x2048xf32, #tpu.memory_space<vmem>>
    %dma_start3A_46 = tpu.memref_squeeze %dma_start3A_45 : memref<1x8x2048xf32, #tpu.memory_space<vmem>> -> memref<8x2048xf32, #tpu.memory_space<vmem>>
    %dma_start3A_47 = arith.constant 0 : i32
    %dma_start3A_48 = tpu.memref_slice %arg2[%add3A_32, %dma_start3A_47] : memref<8192x2048xf32, #tpu.memory_space<hbm>> -> memref<8x2048xf32, #tpu.memory_space<hbm>>
    tpu.enqueue_dma source(%dma_start3A_48 : memref<8x2048xf32, #tpu.memory_space<hbm>>) target(%dma_start3A_46 : memref<8x2048xf32, #tpu.memory_space<vmem>>) target_semaphore(%dma_start3A_42 : memref<!tpu.dma_semaphore, #tpu.memory_space<semaphore_mem>>)
    %scan3A = arith.constant 0 : i32
    %scan3A_49 = arith.constant 0 : i32
    %scan3A_50 = arith.constant 16 : i32
    %scan3A_51 = arith.addi %scan3A_49, %scan3A_50 : i32
    %scan3A_52 = arith.constant 1 : i32
    %scan3A_53 = scf.for %scan3A_90 = %scan3A_49 to %scan3A_51 step %scan3A_52 iter_args(%scan3A_91 = %scan3A) -> (i32)  : i32 {
      %mul3A_92 = arith.constant 2 : i32
      %mul3A_93 = arith.muli %mul3A_92, %scan3A_90 : i32
      %add3A_94 = arith.constant 0 : i32
      %add3A_95 = arith.addi %mul3A_93, %add3A_94 : i32
      %mul3A_96 = arith.constant 8 : i32
      %mul3A_97 = arith.muli %add3A_95, %mul3A_96 : i32
      %add3A_98 = arith.addi %mul3A_2, %mul3A_97 : i32
      %dma_wait3A_99 = arith.constant 0 : i32
      %dma_wait3A_100 = arith.constant 0 : i32
      %dma_wait3A_101 = arith.constant 0 : i32
      %dma_wait3A_102 = arith.constant 0 : i32
      %dma_wait3A_103 = tpu.memref_slice %arg5[%dma_wait3A_99, %dma_wait3A_101, %dma_wait3A_102] : memref<2x8x2048xf32, #tpu.memory_space<vmem>> -> memref<1x8x2048xf32, #tpu.memory_space<vmem>>
      %dma_wait3A_104 = tpu.memref_squeeze %dma_wait3A_103 : memref<1x8x2048xf32, #tpu.memory_space<vmem>> -> memref<8x2048xf32, #tpu.memory_space<vmem>>
      %dma_wait3A_105 = arith.constant 0 : i32
      %dma_wait3A_106 = tpu.memref_slice %arg2[%add3A_98, %dma_wait3A_105] : memref<8192x2048xf32, #tpu.memory_space<hbm>> -> memref<8x2048xf32, #tpu.memory_space<hbm>>
      %dma_wait3A_107 = tpu.memref_slice %arg8[%dma_wait3A_100] : memref<2x!tpu.dma_semaphore, #tpu.memory_space<semaphore_mem>> -> memref<1x!tpu.dma_semaphore, #tpu.memory_space<semaphore_mem>>
      %dma_wait3A_108 = tpu.memref_squeeze %dma_wait3A_107 : memref<1x!tpu.dma_semaphore, #tpu.memory_space<semaphore_mem>> -> memref<!tpu.dma_semaphore, #tpu.memory_space<semaphore_mem>>
      %dma_wait3A_109 = arith.constant 0 : i32
      %dma_wait3A_110 = arith.constant 0 : i32
      %dma_wait3A_111 = tpu.memref_slice %arg5[%dma_wait3A_99, %dma_wait3A_109, %dma_wait3A_110] : memref<2x8x2048xf32, #tpu.memory_space<vmem>> -> memref<1x8x2048xf32, #tpu.memory_space<vmem>>
      %dma_wait3A_112 = tpu.memref_squeeze %dma_wait3A_111 : memref<1x8x2048xf32, #tpu.memory_space<vmem>> -> memref<8x2048xf32, #tpu.memory_space<vmem>>
      %dma_wait3A_113 = arith.constant 0 : i32
      %dma_wait3A_114 = tpu.memref_slice %arg2[%add3A_98, %dma_wait3A_113] : memref<8192x2048xf32, #tpu.memory_space<hbm>> -> memref<8x2048xf32, #tpu.memory_space<hbm>>
      tpu.wait_dma2 semaphore(%dma_wait3A_108 : memref<!tpu.dma_semaphore, #tpu.memory_space<semaphore_mem>>) src(%dma_wait3A_114 : memref<8x2048xf32, #tpu.memory_space<hbm>>) dst(%dma_wait3A_112 : memref<8x2048xf32, #tpu.memory_space<vmem>>)
      %gt3A = arith.constant 0 : i32
      %gt3A_115 = arith.cmpi sgt, %scan3A_90, %gt3A : i32
      %convert_element_type3A = arith.extui %gt3A_115 : i1 to i32
      %cond3A = arith.constant 0 : i32
      %cond3A_116 = arith.cmpi ne, %convert_element_type3A, %cond3A : i32
      scf.if %cond3A_116 {
        %mul3A_681 = arith.constant 8 : i32
        %mul3A_682 = arith.muli %add3A_95, %mul3A_681 : i32
        %add3A_683 = arith.addi %mul3A_2, %mul3A_682 : i32
        %dma_wait3A_684 = arith.constant 0 : i32
        %dma_wait3A_685 = arith.constant 0 : i32
        %dma_wait3A_686 = arith.constant 0 : i32
        %dma_wait3A_687 = arith.constant 0 : i32
        %dma_wait3A_688 = tpu.memref_slice %arg6[%dma_wait3A_684, %dma_wait3A_686, %dma_wait3A_687] : memref<2x8x2048xf32, #tpu.memory_space<vmem>> -> memref<1x8x2048xf32, #tpu.memory_space<vmem>>
        %dma_wait3A_689 = tpu.memref_squeeze %dma_wait3A_688 : memref<1x8x2048xf32, #tpu.memory_space<vmem>> -> memref<8x2048xf32, #tpu.memory_space<vmem>>
        %dma_wait3A_690 = arith.constant 0 : i32
        %dma_wait3A_691 = tpu.memref_slice %arg4[%add3A_683, %dma_wait3A_690] : memref<8192x2048xf32, #tpu.memory_space<hbm>> -> memref<8x2048xf32, #tpu.memory_space<hbm>>
        %dma_wait3A_692 = tpu.memref_slice %arg9[%dma_wait3A_685] : memref<2x!tpu.dma_semaphore, #tpu.memory_space<semaphore_mem>> -> memref<1x!tpu.dma_semaphore, #tpu.memory_space<semaphore_mem>>
        %dma_wait3A_693 = tpu.memref_squeeze %dma_wait3A_692 : memref<1x!tpu.dma_semaphore, #tpu.memory_space<semaphore_mem>> -> memref<!tpu.dma_semaphore, #tpu.memory_space<semaphore_mem>>
        %dma_wait3A_694 = arith.constant 0 : i32
        %dma_wait3A_695 = tpu.memref_slice %arg4[%add3A_683, %dma_wait3A_694] : memref<8192x2048xf32, #tpu.memory_space<hbm>> -> memref<8x2048xf32, #tpu.memory_space<hbm>>
        %dma_wait3A_696 = arith.constant 0 : i32
        %dma_wait3A_697 = arith.constant 0 : i32
        %dma_wait3A_698 = tpu.memref_slice %arg6[%dma_wait3A_684, %dma_wait3A_696, %dma_wait3A_697] : memref<2x8x2048xf32, #tpu.memory_space<vmem>> -> memref<1x8x2048xf32, #tpu.memory_space<vmem>>
        %dma_wait3A_699 = tpu.memref_squeeze %dma_wait3A_698 : memref<1x8x2048xf32, #tpu.memory_space<vmem>> -> memref<8x2048xf32, #tpu.memory_space<vmem>>
        tpu.wait_dma2 semaphore(%dma_wait3A_693 : memref<!tpu.dma_semaphore, #tpu.memory_space<semaphore_mem>>) src(%dma_wait3A_699 : memref<8x2048xf32, #tpu.memory_space<vmem>>) dst(%dma_wait3A_695 : memref<8x2048xf32, #tpu.memory_space<hbm>>)
      } else {
      }
      %broadcast_in_dim3A = arith.constant 0.000000e+00 : f32
      %broadcast_in_dim3A_117 = vector.broadcast %broadcast_in_dim3A : f32 to vector<16xf32>
      %broadcast_in_dim3A_118 = arith.constant 0.000000e+00 : f32
      %broadcast_in_dim3A_119 = vector.broadcast %broadcast_in_dim3A_118 : f32 to vector<16xf32>
      %broadcast_in_dim3A_120 = arith.constant 0.000000e+00 : f32
      %broadcast_in_dim3A_121 = vector.broadcast %broadcast_in_dim3A_120 : f32 to vector<16xf32>
      %broadcast_in_dim3A_122 = arith.constant 0.000000e+00 : f32
      %broadcast_in_dim3A_123 = vector.broadcast %broadcast_in_dim3A_122 : f32 to vector<16xf32>
      %broadcast_in_dim3A_124 = arith.constant 0.000000e+00 : f32
      %broadcast_in_dim3A_125 = vector.broadcast %broadcast_in_dim3A_124 : f32 to vector<16xf32>
      %broadcast_in_dim3A_126 = arith.constant 0.000000e+00 : f32
      %broadcast_in_dim3A_127 = vector.broadcast %broadcast_in_dim3A_126 : f32 to vector<16xf32>
      %broadcast_in_dim3A_128 = arith.constant 0.000000e+00 : f32
      %broadcast_in_dim3A_129 = vector.broadcast %broadcast_in_dim3A_128 : f32 to vector<16xf32>
      %broadcast_in_dim3A_130 = arith.constant 0.000000e+00 : f32
      %broadcast_in_dim3A_131 = vector.broadcast %broadcast_in_dim3A_130 : f32 to vector<16xf32>
      %scan3A_132 = arith.constant 0 : i32
      %scan3A_133 = arith.constant 128 : i32
      %scan3A_134 = arith.addi %scan3A_132, %scan3A_133 : i32
      %scan3A_135 = arith.constant 1 : i32
      %scan3A_136:8 = scf.for %scan3A_681 = %scan3A_132 to %scan3A_134 step %scan3A_135 iter_args(%scan3A_682 = %broadcast_in_dim3A_117, %scan3A_683 = %broadcast_in_dim3A_119, %scan3A_684 = %broadcast_in_dim3A_121, %scan3A_685 = %broadcast_in_dim3A_123, %scan3A_686 = %broadcast_in_dim3A_125, %scan3A_687 = %broadcast_in_dim3A_127, %scan3A_688 = %broadcast_in_dim3A_129, %scan3A_689 = %broadcast_in_dim3A_131) -> (vector<16xf32>, vector<16xf32>, vector<16xf32>, vector<16xf32>, vector<16xf32>, vector<16xf32>, vector<16xf32>, vector<16xf32>)  : i32 {
        %mul3A_690 = arith.constant 16 : i32
        %mul3A_691 = arith.muli %scan3A_681, %mul3A_690 : i32
        %get3A = arith.index_cast %mul3A_691 : i32 to index
        %get3A_692 = tpu.vector_load %arg7[%get3A] {strides = array<i32>} : memref<2048xf32, #tpu.memory_space<vmem>>, vector<16xf32>,
        %get3A_693 = vector.shape_cast %get3A_692 : vector<16xf32> to vector<16xf32>
        %get3A_694 = arith.constant 0 : i32
        %get3A_695 = arith.constant 0 : i32
        %get3A_696 = arith.index_cast %get3A_694 : i32 to index
        %get3A_697 = arith.index_cast %get3A_695 : i32 to index
        %get3A_698 = arith.index_cast %mul3A_691 : i32 to index
        %get3A_699 = tpu.vector_load %arg5[%get3A_696, %get3A_697, %get3A_698] {strides = array<i32>} : memref<2x8x2048xf32, #tpu.memory_space<vmem>>, vector<1x1x16xf32>,
        %get3A_700 = vector.shape_cast %get3A_699 : vector<1x1x16xf32> to vector<16xf32>
        %mul3A_701 = arith.mulf %get3A_700, %get3A_693 : vector<16xf32>
        %add3A_702 = arith.addf %scan3A_682, %mul3A_701 : vector<16xf32>
        %get3A_703 = arith.constant 0 : i32
        %get3A_704 = arith.constant 1 : i32
        %get3A_705 = arith.index_cast %get3A_703 : i32 to index
        %get3A_706 = arith.index_cast %get3A_704 : i32 to index
        %get3A_707 = arith.index_cast %mul3A_691 : i32 to index
        %get3A_708 = tpu.vector_load %arg5[%get3A_705, %get3A_706, %get3A_707] {strides = array<i32>} : memref<2x8x2048xf32, #tpu.memory_space<vmem>>, vector<1x1x16xf32>,
        %get3A_709 = vector.shape_cast %get3A_708 : vector<1x1x16xf32> to vector<16xf32>
        %mul3A_710 = arith.mulf %get3A_709, %get3A_693 : vector<16xf32>
        %add3A_711 = arith.addf %scan3A_683, %mul3A_710 : vector<16xf32>
        %get3A_712 = arith.constant 0 : i32
        %get3A_713 = arith.constant 2 : i32
        %get3A_714 = arith.index_cast %get3A_712 : i32 to index
        %get3A_715 = arith.index_cast %get3A_713 : i32 to index
        %get3A_716 = arith.index_cast %mul3A_691 : i32 to index
        %get3A_717 = tpu.vector_load %arg5[%get3A_714, %get3A_715, %get3A_716] {strides = array<i32>} : memref<2x8x2048xf32, #tpu.memory_space<vmem>>, vector<1x1x16xf32>,
        %get3A_718 = vector.shape_cast %get3A_717 : vector<1x1x16xf32> to vector<16xf32>
        %mul3A_719 = arith.mulf %get3A_718, %get3A_693 : vector<16xf32>
        %add3A_720 = arith.addf %scan3A_684, %mul3A_719 : vector<16xf32>
        %get3A_721 = arith.constant 0 : i32
        %get3A_722 = arith.constant 3 : i32
        %get3A_723 = arith.index_cast %get3A_721 : i32 to index
        %get3A_724 = arith.index_cast %get3A_722 : i32 to index
        %get3A_725 = arith.index_cast %mul3A_691 : i32 to index
        %get3A_726 = tpu.vector_load %arg5[%get3A_723, %get3A_724, %get3A_725] {strides = array<i32>} : memref<2x8x2048xf32, #tpu.memory_space<vmem>>, vector<1x1x16xf32>,
        %get3A_727 = vector.shape_cast %get3A_726 : vector<1x1x16xf32> to vector<16xf32>
        %mul3A_728 = arith.mulf %get3A_727, %get3A_693 : vector<16xf32>
        %add3A_729 = arith.addf %scan3A_685, %mul3A_728 : vector<16xf32>
        %get3A_730 = arith.constant 0 : i32
        %get3A_731 = arith.constant 4 : i32
        %get3A_732 = arith.index_cast %get3A_730 : i32 to index
        %get3A_733 = arith.index_cast %get3A_731 : i32 to index
        %get3A_734 = arith.index_cast %mul3A_691 : i32 to index
        %get3A_735 = tpu.vector_load %arg5[%get3A_732, %get3A_733, %get3A_734] {strides = array<i32>} : memref<2x8x2048xf32, #tpu.memory_space<vmem>>, vector<1x1x16xf32>,
        %get3A_736 = vector.shape_cast %get3A_735 : vector<1x1x16xf32> to vector<16xf32>
        %mul3A_737 = arith.mulf %get3A_736, %get3A_693 : vector<16xf32>
        %add3A_738 = arith.addf %scan3A_686, %mul3A_737 : vector<16xf32>
        %get3A_739 = arith.constant 0 : i32
        %get3A_740 = arith.constant 5 : i32
        %get3A_741 = arith.index_cast %get3A_739 : i32 to index
        %get3A_742 = arith.index_cast %get3A_740 : i32 to index
        %get3A_743 = arith.index_cast %mul3A_691 : i32 to index
        %get3A_744 = tpu.vector_load %arg5[%get3A_741, %get3A_742, %get3A_743] {strides = array<i32>} : memref<2x8x2048xf32, #tpu.memory_space<vmem>>, vector<1x1x16xf32>,
        %get3A_745 = vector.shape_cast %get3A_744 : vector<1x1x16xf32> to vector<16xf32>
        %mul3A_746 = arith.mulf %get3A_745, %get3A_693 : vector<16xf32>
        %add3A_747 = arith.addf %scan3A_687, %mul3A_746 : vector<16xf32>
        %get3A_748 = arith.constant 0 : i32
        %get3A_749 = arith.constant 6 : i32
        %get3A_750 = arith.index_cast %get3A_748 : i32 to index
        %get3A_751 = arith.index_cast %get3A_749 : i32 to index
        %get3A_752 = arith.index_cast %mul3A_691 : i32 to index
        %get3A_753 = tpu.vector_load %arg5[%get3A_750, %get3A_751, %get3A_752] {strides = array<i32>} : memref<2x8x2048xf32, #tpu.memory_space<vmem>>, vector<1x1x16xf32>,
        %get3A_754 = vector.shape_cast %get3A_753 : vector<1x1x16xf32> to vector<16xf32>
        %mul3A_755 = arith.mulf %get3A_754, %get3A_693 : vector<16xf32>
        %add3A_756 = arith.addf %scan3A_688, %mul3A_755 : vector<16xf32>
        %get3A_757 = arith.constant 0 : i32
        %get3A_758 = arith.constant 7 : i32
        %get3A_759 = arith.index_cast %get3A_757 : i32 to index
        %get3A_760 = arith.index_cast %get3A_758 : i32 to index
        %get3A_761 = arith.index_cast %mul3A_691 : i32 to index
        %get3A_762 = tpu.vector_load %arg5[%get3A_759, %get3A_760, %get3A_761] {strides = array<i32>} : memref<2x8x2048xf32, #tpu.memory_space<vmem>>, vector<1x1x16xf32>,
        %get3A_763 = vector.shape_cast %get3A_762 : vector<1x1x16xf32> to vector<16xf32>
        %mul3A_764 = arith.mulf %get3A_763, %get3A_693 : vector<16xf32>
        %add3A_765 = arith.addf %scan3A_689, %mul3A_764 : vector<16xf32>
        scf.yield %add3A_702, %add3A_711, %add3A_720, %add3A_729, %add3A_738, %add3A_747, %add3A_756, %add3A_765 : vector<16xf32>, vector<16xf32>, vector<16xf32>, vector<16xf32>, vector<16xf32>, vector<16xf32>, vector<16xf32>, vector<16xf32>
      }
      %scan3A_137 = arith.constant 128 : i32
      %broadcast_in_dim3A_138 = vector.shape_cast %xor3A_4 : vector<16xi32> to vector<16x1xi32>
      %gather3A = vector.shape_cast %broadcast_in_dim3A_138 : vector<16x1xi32> to vector<16xi32>
      %gather3A_139 = tpu.dynamic_gather %scan3A_136#0[%gather3A] in [0] : vector<16xf32>, vector<16xi32> -> vector<16xf32>
      %add3A_140 = arith.addf %scan3A_136#0, %gather3A_139 : vector<16xf32>
      %broadcast_in_dim3A_141 = vector.shape_cast %xor3A_7 : vector<16xi32> to vector<16x1xi32>
      %gather3A_142 = vector.shape_cast %broadcast_in_dim3A_141 : vector<16x1xi32> to vector<16xi32>
      %gather3A_143 = tpu.dynamic_gather %add3A_140[%gather3A_142] in [0] : vector<16xf32>, vector<16xi32> -> vector<16xf32>
      %add3A_144 = arith.addf %add3A_140, %gather3A_143 : vector<16xf32>
      %broadcast_in_dim3A_145 = vector.shape_cast %xor3A_10 : vector<16xi32> to vector<16x1xi32>
      %gather3A_146 = vector.shape_cast %broadcast_in_dim3A_145 : vector<16x1xi32> to vector<16xi32>
      %gather3A_147 = tpu.dynamic_gather %add3A_144[%gather3A_146] in [0] : vector<16xf32>, vector<16xi32> -> vector<16xf32>
      %add3A_148 = arith.addf %add3A_144, %gather3A_147 : vector<16xf32>
      %broadcast_in_dim3A_149 = vector.shape_cast %xor3A_13 : vector<16xi32> to vector<16x1xi32>
      %gather3A_150 = vector.shape_cast %broadcast_in_dim3A_149 : vector<16x1xi32> to vector<16xi32>
      %gather3A_151 = tpu.dynamic_gather %add3A_148[%gather3A_150] in [0] : vector<16xf32>, vector<16xi32> -> vector<16xf32>
      %add3A_152 = arith.addf %add3A_148, %gather3A_151 : vector<16xf32>
      %abs3A = math.absf %add3A_152 : vector<16xf32>
      %neg3A = arith.constant 0.000000e+00 : f32
      %neg3A_153 = vector.broadcast %neg3A : f32 to vector<16xf32>
      %neg3A_154 = arith.subf %neg3A_153, %abs3A : vector<16xf32>
      %exp3A = math.exp %neg3A_154 : vector<16xf32>
      %add3A_155 = arith.constant 1.000000e+00 : f32
      %add3A_156 = vector.broadcast %add3A_155 : f32 to vector<16xf32>
      %add3A_157 = arith.addf %add3A_156, %exp3A : vector<16xf32>
      %div3A = arith.constant 1.000000e+00 : f32
      %div3A_158 = vector.broadcast %div3A : f32 to vector<16xf32>
      %div3A_159 = arith.divf %div3A_158, %add3A_157 : vector<16xf32>
      %broadcast_in_dim3A_160 = vector.shape_cast %xor3A_4 : vector<16xi32> to vector<16x1xi32>
      %gather3A_161 = vector.shape_cast %broadcast_in_dim3A_160 : vector<16x1xi32> to vector<16xi32>
      %gather3A_162 = tpu.dynamic_gather %scan3A_136#1[%gather3A_161] in [0] : vector<16xf32>, vector<16xi32> -> vector<16xf32>
      %add3A_163 = arith.addf %scan3A_136#1, %gather3A_162 : vector<16xf32>
      %broadcast_in_dim3A_164 = vector.shape_cast %xor3A_7 : vector<16xi32> to vector<16x1xi32>
      %gather3A_165 = vector.shape_cast %broadcast_in_dim3A_164 : vector<16x1xi32> to vector<16xi32>
      %gather3A_166 = tpu.dynamic_gather %add3A_163[%gather3A_165] in [0] : vector<16xf32>, vector<16xi32> -> vector<16xf32>
      %add3A_167 = arith.addf %add3A_163, %gather3A_166 : vector<16xf32>
      %broadcast_in_dim3A_168 = vector.shape_cast %xor3A_10 : vector<16xi32> to vector<16x1xi32>
      %gather3A_169 = vector.shape_cast %broadcast_in_dim3A_168 : vector<16x1xi32> to vector<16xi32>
      %gather3A_170 = tpu.dynamic_gather %add3A_167[%gather3A_169] in [0] : vector<16xf32>, vector<16xi32> -> vector<16xf32>
      %add3A_171 = arith.addf %add3A_167, %gather3A_170 : vector<16xf32>
      %broadcast_in_dim3A_172 = vector.shape_cast %xor3A_13 : vector<16xi32> to vector<16x1xi32>
      %gather3A_173 = vector.shape_cast %broadcast_in_dim3A_172 : vector<16x1xi32> to vector<16xi32>
      %gather3A_174 = tpu.dynamic_gather %add3A_171[%gather3A_173] in [0] : vector<16xf32>, vector<16xi32> -> vector<16xf32>
      %add3A_175 = arith.addf %add3A_171, %gather3A_174 : vector<16xf32>
      %abs3A_176 = math.absf %add3A_175 : vector<16xf32>
      %neg3A_177 = arith.constant 0.000000e+00 : f32
      %neg3A_178 = vector.broadcast %neg3A_177 : f32 to vector<16xf32>
      %neg3A_179 = arith.subf %neg3A_178, %abs3A_176 : vector<16xf32>
      %exp3A_180 = math.exp %neg3A_179 : vector<16xf32>
      %add3A_181 = arith.constant 1.000000e+00 : f32
      %add3A_182 = vector.broadcast %add3A_181 : f32 to vector<16xf32>
      %add3A_183 = arith.addf %add3A_182, %exp3A_180 : vector<16xf32>
      %div3A_184 = arith.constant 1.000000e+00 : f32
      %div3A_185 = vector.broadcast %div3A_184 : f32 to vector<16xf32>
      %div3A_186 = arith.divf %div3A_185, %add3A_183 : vector<16xf32>
      %broadcast_in_dim3A_187 = vector.shape_cast %xor3A_4 : vector<16xi32> to vector<16x1xi32>
      %gather3A_188 = vector.shape_cast %broadcast_in_dim3A_187 : vector<16x1xi32> to vector<16xi32>
      %gather3A_189 = tpu.dynamic_gather %scan3A_136#2[%gather3A_188] in [0] : vector<16xf32>, vector<16xi32> -> vector<16xf32>
      %add3A_190 = arith.addf %scan3A_136#2, %gather3A_189 : vector<16xf32>
      %broadcast_in_dim3A_191 = vector.shape_cast %xor3A_7 : vector<16xi32> to vector<16x1xi32>
      %gather3A_192 = vector.shape_cast %broadcast_in_dim3A_191 : vector<16x1xi32> to vector<16xi32>
      %gather3A_193 = tpu.dynamic_gather %add3A_190[%gather3A_192] in [0] : vector<16xf32>, vector<16xi32> -> vector<16xf32>
      %add3A_194 = arith.addf %add3A_190, %gather3A_193 : vector<16xf32>
      %broadcast_in_dim3A_195 = vector.shape_cast %xor3A_10 : vector<16xi32> to vector<16x1xi32>
      %gather3A_196 = vector.shape_cast %broadcast_in_dim3A_195 : vector<16x1xi32> to vector<16xi32>
      %gather3A_197 = tpu.dynamic_gather %add3A_194[%gather3A_196] in [0] : vector<16xf32>, vector<16xi32> -> vector<16xf32>
      %add3A_198 = arith.addf %add3A_194, %gather3A_197 : vector<16xf32>
      %broadcast_in_dim3A_199 = vector.shape_cast %xor3A_13 : vector<16xi32> to vector<16x1xi32>
      %gather3A_200 = vector.shape_cast %broadcast_in_dim3A_199 : vector<16x1xi32> to vector<16xi32>
      %gather3A_201 = tpu.dynamic_gather %add3A_198[%gather3A_200] in [0] : vector<16xf32>, vector<16xi32> -> vector<16xf32>
      %add3A_202 = arith.addf %add3A_198, %gather3A_201 : vector<16xf32>
      %abs3A_203 = math.absf %add3A_202 : vector<16xf32>
      %neg3A_204 = arith.constant 0.000000e+00 : f32
      %neg3A_205 = vector.broadcast %neg3A_204 : f32 to vector<16xf32>
      %neg3A_206 = arith.subf %neg3A_205, %abs3A_203 : vector<16xf32>
      %exp3A_207 = math.exp %neg3A_206 : vector<16xf32>
      %add3A_208 = arith.constant 1.000000e+00 : f32
      %add3A_209 = vector.broadcast %add3A_208 : f32 to vector<16xf32>
      %add3A_210 = arith.addf %add3A_209, %exp3A_207 : vector<16xf32>
      %div3A_211 = arith.constant 1.000000e+00 : f32
      %div3A_212 = vector.broadcast %div3A_211 : f32 to vector<16xf32>
      %div3A_213 = arith.divf %div3A_212, %add3A_210 : vector<16xf32>
      %broadcast_in_dim3A_214 = vector.shape_cast %xor3A_4 : vector<16xi32> to vector<16x1xi32>
      %gather3A_215 = vector.shape_cast %broadcast_in_dim3A_214 : vector<16x1xi32> to vector<16xi32>
      %gather3A_216 = tpu.dynamic_gather %scan3A_136#3[%gather3A_215] in [0] : vector<16xf32>, vector<16xi32> -> vector<16xf32>
      %add3A_217 = arith.addf %scan3A_136#3, %gather3A_216 : vector<16xf32>
      %broadcast_in_dim3A_218 = vector.shape_cast %xor3A_7 : vector<16xi32> to vector<16x1xi32>
      %gather3A_219 = vector.shape_cast %broadcast_in_dim3A_218 : vector<16x1xi32> to vector<16xi32>
      %gather3A_220 = tpu.dynamic_gather %add3A_217[%gather3A_219] in [0] : vector<16xf32>, vector<16xi32> -> vector<16xf32>
      %add3A_221 = arith.addf %add3A_217, %gather3A_220 : vector<16xf32>
      %broadcast_in_dim3A_222 = vector.shape_cast %xor3A_10 : vector<16xi32> to vector<16x1xi32>
      %gather3A_223 = vector.shape_cast %broadcast_in_dim3A_222 : vector<16x1xi32> to vector<16xi32>
      %gather3A_224 = tpu.dynamic_gather %add3A_221[%gather3A_223] in [0] : vector<16xf32>, vector<16xi32> -> vector<16xf32>
      %add3A_225 = arith.addf %add3A_221, %gather3A_224 : vector<16xf32>
      %broadcast_in_dim3A_226 = vector.shape_cast %xor3A_13 : vector<16xi32> to vector<16x1xi32>
      %gather3A_227 = vector.shape_cast %broadcast_in_dim3A_226 : vector<16x1xi32> to vector<16xi32>
      %gather3A_228 = tpu.dynamic_gather %add3A_225[%gather3A_227] in [0] : vector<16xf32>, vector<16xi32> -> vector<16xf32>
      %add3A_229 = arith.addf %add3A_225, %gather3A_228 : vector<16xf32>
      %abs3A_230 = math.absf %add3A_229 : vector<16xf32>
      %neg3A_231 = arith.constant 0.000000e+00 : f32
      %neg3A_232 = vector.broadcast %neg3A_231 : f32 to vector<16xf32>
      %neg3A_233 = arith.subf %neg3A_232, %abs3A_230 : vector<16xf32>
      %exp3A_234 = math.exp %neg3A_233 : vector<16xf32>
      %add3A_235 = arith.constant 1.000000e+00 : f32
      %add3A_236 = vector.broadcast %add3A_235 : f32 to vector<16xf32>
      %add3A_237 = arith.addf %add3A_236, %exp3A_234 : vector<16xf32>
      %div3A_238 = arith.constant 1.000000e+00 : f32
      %div3A_239 = vector.broadcast %div3A_238 : f32 to vector<16xf32>
      %div3A_240 = arith.divf %div3A_239, %add3A_237 : vector<16xf32>
      %broadcast_in_dim3A_241 = vector.shape_cast %xor3A_4 : vector<16xi32> to vector<16x1xi32>
      %gather3A_242 = vector.shape_cast %broadcast_in_dim3A_241 : vector<16x1xi32> to vector<16xi32>
      %gather3A_243 = tpu.dynamic_gather %scan3A_136#4[%gather3A_242] in [0] : vector<16xf32>, vector<16xi32> -> vector<16xf32>
      %add3A_244 = arith.addf %scan3A_136#4, %gather3A_243 : vector<16xf32>
      %broadcast_in_dim3A_245 = vector.shape_cast %xor3A_7 : vector<16xi32> to vector<16x1xi32>
      %gather3A_246 = vector.shape_cast %broadcast_in_dim3A_245 : vector<16x1xi32> to vector<16xi32>
      %gather3A_247 = tpu.dynamic_gather %add3A_244[%gather3A_246] in [0] : vector<16xf32>, vector<16xi32> -> vector<16xf32>
      %add3A_248 = arith.addf %add3A_244, %gather3A_247 : vector<16xf32>
      %broadcast_in_dim3A_249 = vector.shape_cast %xor3A_10 : vector<16xi32> to vector<16x1xi32>
      %gather3A_250 = vector.shape_cast %broadcast_in_dim3A_249 : vector<16x1xi32> to vector<16xi32>
      %gather3A_251 = tpu.dynamic_gather %add3A_248[%gather3A_250] in [0] : vector<16xf32>, vector<16xi32> -> vector<16xf32>
      %add3A_252 = arith.addf %add3A_248, %gather3A_251 : vector<16xf32>
      %broadcast_in_dim3A_253 = vector.shape_cast %xor3A_13 : vector<16xi32> to vector<16x1xi32>
      %gather3A_254 = vector.shape_cast %broadcast_in_dim3A_253 : vector<16x1xi32> to vector<16xi32>
      %gather3A_255 = tpu.dynamic_gather %add3A_252[%gather3A_254] in [0] : vector<16xf32>, vector<16xi32> -> vector<16xf32>
      %add3A_256 = arith.addf %add3A_252, %gather3A_255 : vector<16xf32>
      %abs3A_257 = math.absf %add3A_256 : vector<16xf32>
      %neg3A_258 = arith.constant 0.000000e+00 : f32
      %neg3A_259 = vector.broadcast %neg3A_258 : f32 to vector<16xf32>
      %neg3A_260 = arith.subf %neg3A_259, %abs3A_257 : vector<16xf32>
      %exp3A_261 = math.exp %neg3A_260 : vector<16xf32>
      %add3A_262 = arith.constant 1.000000e+00 : f32
      %add3A_263 = vector.broadcast %add3A_262 : f32 to vector<16xf32>
      %add3A_264 = arith.addf %add3A_263, %exp3A_261 : vector<16xf32>
      %div3A_265 = arith.constant 1.000000e+00 : f32
      %div3A_266 = vector.broadcast %div3A_265 : f32 to vector<16xf32>
      %div3A_267 = arith.divf %div3A_266, %add3A_264 : vector<16xf32>
      %broadcast_in_dim3A_268 = vector.shape_cast %xor3A_4 : vector<16xi32> to vector<16x1xi32>
      %gather3A_269 = vector.shape_cast %broadcast_in_dim3A_268 : vector<16x1xi32> to vector<16xi32>
      %gather3A_270 = tpu.dynamic_gather %scan3A_136#5[%gather3A_269] in [0] : vector<16xf32>, vector<16xi32> -> vector<16xf32>
      %add3A_271 = arith.addf %scan3A_136#5, %gather3A_270 : vector<16xf32>
      %broadcast_in_dim3A_272 = vector.shape_cast %xor3A_7 : vector<16xi32> to vector<16x1xi32>
      %gather3A_273 = vector.shape_cast %broadcast_in_dim3A_272 : vector<16x1xi32> to vector<16xi32>
      %gather3A_274 = tpu.dynamic_gather %add3A_271[%gather3A_273] in [0] : vector<16xf32>, vector<16xi32> -> vector<16xf32>
      %add3A_275 = arith.addf %add3A_271, %gather3A_274 : vector<16xf32>
      %broadcast_in_dim3A_276 = vector.shape_cast %xor3A_10 : vector<16xi32> to vector<16x1xi32>
      %gather3A_277 = vector.shape_cast %broadcast_in_dim3A_276 : vector<16x1xi32> to vector<16xi32>
      %gather3A_278 = tpu.dynamic_gather %add3A_275[%gather3A_277] in [0] : vector<16xf32>, vector<16xi32> -> vector<16xf32>
      %add3A_279 = arith.addf %add3A_275, %gather3A_278 : vector<16xf32>
      %broadcast_in_dim3A_280 = vector.shape_cast %xor3A_13 : vector<16xi32> to vector<16x1xi32>
      %gather3A_281 = vector.shape_cast %broadcast_in_dim3A_280 : vector<16x1xi32> to vector<16xi32>
      %gather3A_282 = tpu.dynamic_gather %add3A_279[%gather3A_281] in [0] : vector<16xf32>, vector<16xi32> -> vector<16xf32>
      %add3A_283 = arith.addf %add3A_279, %gather3A_282 : vector<16xf32>
      %abs3A_284 = math.absf %add3A_283 : vector<16xf32>
      %neg3A_285 = arith.constant 0.000000e+00 : f32
      %neg3A_286 = vector.broadcast %neg3A_285 : f32 to vector<16xf32>
      %neg3A_287 = arith.subf %neg3A_286, %abs3A_284 : vector<16xf32>
      %exp3A_288 = math.exp %neg3A_287 : vector<16xf32>
      %add3A_289 = arith.constant 1.000000e+00 : f32
      %add3A_290 = vector.broadcast %add3A_289 : f32 to vector<16xf32>
      %add3A_291 = arith.addf %add3A_290, %exp3A_288 : vector<16xf32>
      %div3A_292 = arith.constant 1.000000e+00 : f32
      %div3A_293 = vector.broadcast %div3A_292 : f32 to vector<16xf32>
      %div3A_294 = arith.divf %div3A_293, %add3A_291 : vector<16xf32>
      %broadcast_in_dim3A_295 = vector.shape_cast %xor3A_4 : vector<16xi32> to vector<16x1xi32>
      %gather3A_296 = vector.shape_cast %broadcast_in_dim3A_295 : vector<16x1xi32> to vector<16xi32>
      %gather3A_297 = tpu.dynamic_gather %scan3A_136#6[%gather3A_296] in [0] : vector<16xf32>, vector<16xi32> -> vector<16xf32>
      %add3A_298 = arith.addf %scan3A_136#6, %gather3A_297 : vector<16xf32>
      %broadcast_in_dim3A_299 = vector.shape_cast %xor3A_7 : vector<16xi32> to vector<16x1xi32>
      %gather3A_300 = vector.shape_cast %broadcast_in_dim3A_299 : vector<16x1xi32> to vector<16xi32>
      %gather3A_301 = tpu.dynamic_gather %add3A_298[%gather3A_300] in [0] : vector<16xf32>, vector<16xi32> -> vector<16xf32>
      %add3A_302 = arith.addf %add3A_298, %gather3A_301 : vector<16xf32>
      %broadcast_in_dim3A_303 = vector.shape_cast %xor3A_10 : vector<16xi32> to vector<16x1xi32>
      %gather3A_304 = vector.shape_cast %broadcast_in_dim3A_303 : vector<16x1xi32> to vector<16xi32>
      %gather3A_305 = tpu.dynamic_gather %add3A_302[%gather3A_304] in [0] : vector<16xf32>, vector<16xi32> -> vector<16xf32>
      %add3A_306 = arith.addf %add3A_302, %gather3A_305 : vector<16xf32>
      %broadcast_in_dim3A_307 = vector.shape_cast %xor3A_13 : vector<16xi32> to vector<16x1xi32>
      %gather3A_308 = vector.shape_cast %broadcast_in_dim3A_307 : vector<16x1xi32> to vector<16xi32>
      %gather3A_309 = tpu.dynamic_gather %add3A_306[%gather3A_308] in [0] : vector<16xf32>, vector<16xi32> -> vector<16xf32>
      %add3A_310 = arith.addf %add3A_306, %gather3A_309 : vector<16xf32>
      %abs3A_311 = math.absf %add3A_310 : vector<16xf32>
      %neg3A_312 = arith.constant 0.000000e+00 : f32
      %neg3A_313 = vector.broadcast %neg3A_312 : f32 to vector<16xf32>
      %neg3A_314 = arith.subf %neg3A_313, %abs3A_311 : vector<16xf32>
      %exp3A_315 = math.exp %neg3A_314 : vector<16xf32>
      %add3A_316 = arith.constant 1.000000e+00 : f32
      %add3A_317 = vector.broadcast %add3A_316 : f32 to vector<16xf32>
      %add3A_318 = arith.addf %add3A_317, %exp3A_315 : vector<16xf32>
      %div3A_319 = arith.constant 1.000000e+00 : f32
      %div3A_320 = vector.broadcast %div3A_319 : f32 to vector<16xf32>
      %div3A_321 = arith.divf %div3A_320, %add3A_318 : vector<16xf32>
      %broadcast_in_dim3A_322 = vector.shape_cast %xor3A_4 : vector<16xi32> to vector<16x1xi32>
      %gather3A_323 = vector.shape_cast %broadcast_in_dim3A_322 : vector<16x1xi32> to vector<16xi32>
      %gather3A_324 = tpu.dynamic_gather %scan3A_136#7[%gather3A_323] in [0] : vector<16xf32>, vector<16xi32> -> vector<16xf32>
      %add3A_325 = arith.addf %scan3A_136#7, %gather3A_324 : vector<16xf32>
      %broadcast_in_dim3A_326 = vector.shape_cast %xor3A_7 : vector<16xi32> to vector<16x1xi32>
      %gather3A_327 = vector.shape_cast %broadcast_in_dim3A_326 : vector<16x1xi32> to vector<16xi32>
      %gather3A_328 = tpu.dynamic_gather %add3A_325[%gather3A_327] in [0] : vector<16xf32>, vector<16xi32> -> vector<16xf32>
      %add3A_329 = arith.addf %add3A_325, %gather3A_328 : vector<16xf32>
      %broadcast_in_dim3A_330 = vector.shape_cast %xor3A_10 : vector<16xi32> to vector<16x1xi32>
      %gather3A_331 = vector.shape_cast %broadcast_in_dim3A_330 : vector<16x1xi32> to vector<16xi32>
      %gather3A_332 = tpu.dynamic_gather %add3A_329[%gather3A_331] in [0] : vector<16xf32>, vector<16xi32> -> vector<16xf32>
      %add3A_333 = arith.addf %add3A_329, %gather3A_332 : vector<16xf32>
      %broadcast_in_dim3A_334 = vector.shape_cast %xor3A_13 : vector<16xi32> to vector<16x1xi32>
      %gather3A_335 = vector.shape_cast %broadcast_in_dim3A_334 : vector<16x1xi32> to vector<16xi32>
      %gather3A_336 = tpu.dynamic_gather %add3A_333[%gather3A_335] in [0] : vector<16xf32>, vector<16xi32> -> vector<16xf32>
      %add3A_337 = arith.addf %add3A_333, %gather3A_336 : vector<16xf32>
      %abs3A_338 = math.absf %add3A_337 : vector<16xf32>
      %neg3A_339 = arith.constant 0.000000e+00 : f32
      %neg3A_340 = vector.broadcast %neg3A_339 : f32 to vector<16xf32>
      %neg3A_341 = arith.subf %neg3A_340, %abs3A_338 : vector<16xf32>
      %exp3A_342 = math.exp %neg3A_341 : vector<16xf32>
      %add3A_343 = arith.constant 1.000000e+00 : f32
      %add3A_344 = vector.broadcast %add3A_343 : f32 to vector<16xf32>
      %add3A_345 = arith.addf %add3A_344, %exp3A_342 : vector<16xf32>
      %div3A_346 = arith.constant 1.000000e+00 : f32
      %div3A_347 = vector.broadcast %div3A_346 : f32 to vector<16xf32>
      %div3A_348 = arith.divf %div3A_347, %add3A_345 : vector<16xf32>
      %scan3A_349 = arith.constant 0 : i32
      %scan3A_350 = arith.constant 0 : i32
      %scan3A_351 = arith.constant 128 : i32
      %scan3A_352 = arith.addi %scan3A_350, %scan3A_351 : i32
      %scan3A_353 = arith.constant 1 : i32
      %scan3A_354 = scf.for %scan3A_681 = %scan3A_350 to %scan3A_352 step %scan3A_353 iter_args(%scan3A_682 = %scan3A_349) -> (i32)  : i32 {
        %mul3A_683 = arith.constant 16 : i32
        %mul3A_684 = arith.muli %scan3A_681, %mul3A_683 : i32
        %get3A = arith.constant 0 : i32
        %get3A_685 = arith.constant 0 : i32
        %get3A_686 = arith.index_cast %get3A : i32 to index
        %get3A_687 = arith.index_cast %get3A_685 : i32 to index
        %get3A_688 = arith.index_cast %mul3A_684 : i32 to index
        %get3A_689 = tpu.vector_load %arg5[%get3A_686, %get3A_687, %get3A_688] {strides = array<i32>} : memref<2x8x2048xf32, #tpu.memory_space<vmem>>, vector<1x1x16xf32>,
        %get3A_690 = vector.shape_cast %get3A_689 : vector<1x1x16xf32> to vector<16xf32>
        %mul3A_691 = arith.mulf %get3A_690, %div3A_159 : vector<16xf32>
        %swap3A = arith.constant 0 : i32
        %swap3A_692 = arith.constant 0 : i32
        %swap3A_693 = arith.index_cast %swap3A : i32 to index
        %swap3A_694 = arith.index_cast %swap3A_692 : i32 to index
        %swap3A_695 = arith.index_cast %mul3A_684 : i32 to index
        %swap3A_696 = tpu.vector_load %arg6[%swap3A_693, %swap3A_694, %swap3A_695] {strides = array<i32>} : memref<2x8x2048xf32, #tpu.memory_space<vmem>>, vector<1x1x16xf32>,
        %swap3A_697 = vector.shape_cast %swap3A_696 : vector<1x1x16xf32> to vector<16xf32>
        %swap3A_698 = vector.shape_cast %mul3A_691 : vector<16xf32> to vector<1x1x16xf32>
        tpu.vector_store %arg6[%swap3A_693, %swap3A_694, %swap3A_695], %swap3A_698 {strides = array<i32>} : memref<2x8x2048xf32, #tpu.memory_space<vmem>>, vector<1x1x16xf32>,
        %get3A_699 = arith.constant 0 : i32
        %get3A_700 = arith.constant 1 : i32
        %get3A_701 = arith.index_cast %get3A_699 : i32 to index
        %get3A_702 = arith.index_cast %get3A_700 : i32 to index
        %get3A_703 = arith.index_cast %mul3A_684 : i32 to index
        %get3A_704 = tpu.vector_load %arg5[%get3A_701, %get3A_702, %get3A_703] {strides = array<i32>} : memref<2x8x2048xf32, #tpu.memory_space<vmem>>, vector<1x1x16xf32>,
        %get3A_705 = vector.shape_cast %get3A_704 : vector<1x1x16xf32> to vector<16xf32>
        %mul3A_706 = arith.mulf %get3A_705, %div3A_186 : vector<16xf32>
        %swap3A_707 = arith.constant 0 : i32
        %swap3A_708 = arith.constant 1 : i32
        %swap3A_709 = arith.index_cast %swap3A_707 : i32 to index
        %swap3A_710 = arith.index_cast %swap3A_708 : i32 to index
        %swap3A_711 = arith.index_cast %mul3A_684 : i32 to index
        %swap3A_712 = tpu.vector_load %arg6[%swap3A_709, %swap3A_710, %swap3A_711] {strides = array<i32>} : memref<2x8x2048xf32, #tpu.memory_space<vmem>>, vector<1x1x16xf32>,
        %swap3A_713 = vector.shape_cast %swap3A_712 : vector<1x1x16xf32> to vector<16xf32>
        %swap3A_714 = vector.shape_cast %mul3A_706 : vector<16xf32> to vector<1x1x16xf32>
        tpu.vector_store %arg6[%swap3A_709, %swap3A_710, %swap3A_711], %swap3A_714 {strides = array<i32>} : memref<2x8x2048xf32, #tpu.memory_space<vmem>>, vector<1x1x16xf32>,
        %get3A_715 = arith.constant 0 : i32
        %get3A_716 = arith.constant 2 : i32
        %get3A_717 = arith.index_cast %get3A_715 : i32 to index
        %get3A_718 = arith.index_cast %get3A_716 : i32 to index
        %get3A_719 = arith.index_cast %mul3A_684 : i32 to index
        %get3A_720 = tpu.vector_load %arg5[%get3A_717, %get3A_718, %get3A_719] {strides = array<i32>} : memref<2x8x2048xf32, #tpu.memory_space<vmem>>, vector<1x1x16xf32>,
        %get3A_721 = vector.shape_cast %get3A_720 : vector<1x1x16xf32> to vector<16xf32>
        %mul3A_722 = arith.mulf %get3A_721, %div3A_213 : vector<16xf32>
        %swap3A_723 = arith.constant 0 : i32
        %swap3A_724 = arith.constant 2 : i32
        %swap3A_725 = arith.index_cast %swap3A_723 : i32 to index
        %swap3A_726 = arith.index_cast %swap3A_724 : i32 to index
        %swap3A_727 = arith.index_cast %mul3A_684 : i32 to index
        %swap3A_728 = tpu.vector_load %arg6[%swap3A_725, %swap3A_726, %swap3A_727] {strides = array<i32>} : memref<2x8x2048xf32, #tpu.memory_space<vmem>>, vector<1x1x16xf32>,
        %swap3A_729 = vector.shape_cast %swap3A_728 : vector<1x1x16xf32> to vector<16xf32>
        %swap3A_730 = vector.shape_cast %mul3A_722 : vector<16xf32> to vector<1x1x16xf32>
        tpu.vector_store %arg6[%swap3A_725, %swap3A_726, %swap3A_727], %swap3A_730 {strides = array<i32>} : memref<2x8x2048xf32, #tpu.memory_space<vmem>>, vector<1x1x16xf32>,
        %get3A_731 = arith.constant 0 : i32
        %get3A_732 = arith.constant 3 : i32
        %get3A_733 = arith.index_cast %get3A_731 : i32 to index
        %get3A_734 = arith.index_cast %get3A_732 : i32 to index
        %get3A_735 = arith.index_cast %mul3A_684 : i32 to index
        %get3A_736 = tpu.vector_load %arg5[%get3A_733, %get3A_734, %get3A_735] {strides = array<i32>} : memref<2x8x2048xf32, #tpu.memory_space<vmem>>, vector<1x1x16xf32>,
        %get3A_737 = vector.shape_cast %get3A_736 : vector<1x1x16xf32> to vector<16xf32>
        %mul3A_738 = arith.mulf %get3A_737, %div3A_240 : vector<16xf32>
        %swap3A_739 = arith.constant 0 : i32
        %swap3A_740 = arith.constant 3 : i32
        %swap3A_741 = arith.index_cast %swap3A_739 : i32 to index
        %swap3A_742 = arith.index_cast %swap3A_740 : i32 to index
        %swap3A_743 = arith.index_cast %mul3A_684 : i32 to index
        %swap3A_744 = tpu.vector_load %arg6[%swap3A_741, %swap3A_742, %swap3A_743] {strides = array<i32>} : memref<2x8x2048xf32, #tpu.memory_space<vmem>>, vector<1x1x16xf32>,
        %swap3A_745 = vector.shape_cast %swap3A_744 : vector<1x1x16xf32> to vector<16xf32>
        %swap3A_746 = vector.shape_cast %mul3A_738 : vector<16xf32> to vector<1x1x16xf32>
        tpu.vector_store %arg6[%swap3A_741, %swap3A_742, %swap3A_743], %swap3A_746 {strides = array<i32>} : memref<2x8x2048xf32, #tpu.memory_space<vmem>>, vector<1x1x16xf32>,
        %get3A_747 = arith.constant 0 : i32
        %get3A_748 = arith.constant 4 : i32
        %get3A_749 = arith.index_cast %get3A_747 : i32 to index
        %get3A_750 = arith.index_cast %get3A_748 : i32 to index
        %get3A_751 = arith.index_cast %mul3A_684 : i32 to index
        %get3A_752 = tpu.vector_load %arg5[%get3A_749, %get3A_750, %get3A_751] {strides = array<i32>} : memref<2x8x2048xf32, #tpu.memory_space<vmem>>, vector<1x1x16xf32>,
        %get3A_753 = vector.shape_cast %get3A_752 : vector<1x1x16xf32> to vector<16xf32>
        %mul3A_754 = arith.mulf %get3A_753, %div3A_267 : vector<16xf32>
        %swap3A_755 = arith.constant 0 : i32
        %swap3A_756 = arith.constant 4 : i32
        %swap3A_757 = arith.index_cast %swap3A_755 : i32 to index
        %swap3A_758 = arith.index_cast %swap3A_756 : i32 to index
        %swap3A_759 = arith.index_cast %mul3A_684 : i32 to index
        %swap3A_760 = tpu.vector_load %arg6[%swap3A_757, %swap3A_758, %swap3A_759] {strides = array<i32>} : memref<2x8x2048xf32, #tpu.memory_space<vmem>>, vector<1x1x16xf32>,
        %swap3A_761 = vector.shape_cast %swap3A_760 : vector<1x1x16xf32> to vector<16xf32>
        %swap3A_762 = vector.shape_cast %mul3A_754 : vector<16xf32> to vector<1x1x16xf32>
        tpu.vector_store %arg6[%swap3A_757, %swap3A_758, %swap3A_759], %swap3A_762 {strides = array<i32>} : memref<2x8x2048xf32, #tpu.memory_space<vmem>>, vector<1x1x16xf32>,
        %get3A_763 = arith.constant 0 : i32
        %get3A_764 = arith.constant 5 : i32
        %get3A_765 = arith.index_cast %get3A_763 : i32 to index
        %get3A_766 = arith.index_cast %get3A_764 : i32 to index
        %get3A_767 = arith.index_cast %mul3A_684 : i32 to index
        %get3A_768 = tpu.vector_load %arg5[%get3A_765, %get3A_766, %get3A_767] {strides = array<i32>} : memref<2x8x2048xf32, #tpu.memory_space<vmem>>, vector<1x1x16xf32>,
        %get3A_769 = vector.shape_cast %get3A_768 : vector<1x1x16xf32> to vector<16xf32>
        %mul3A_770 = arith.mulf %get3A_769, %div3A_294 : vector<16xf32>
        %swap3A_771 = arith.constant 0 : i32
        %swap3A_772 = arith.constant 5 : i32
        %swap3A_773 = arith.index_cast %swap3A_771 : i32 to index
        %swap3A_774 = arith.index_cast %swap3A_772 : i32 to index
        %swap3A_775 = arith.index_cast %mul3A_684 : i32 to index
        %swap3A_776 = tpu.vector_load %arg6[%swap3A_773, %swap3A_774, %swap3A_775] {strides = array<i32>} : memref<2x8x2048xf32, #tpu.memory_space<vmem>>, vector<1x1x16xf32>,
        %swap3A_777 = vector.shape_cast %swap3A_776 : vector<1x1x16xf32> to vector<16xf32>
        %swap3A_778 = vector.shape_cast %mul3A_770 : vector<16xf32> to vector<1x1x16xf32>
        tpu.vector_store %arg6[%swap3A_773, %swap3A_774, %swap3A_775], %swap3A_778 {strides = array<i32>} : memref<2x8x2048xf32, #tpu.memory_space<vmem>>, vector<1x1x16xf32>,
        %get3A_779 = arith.constant 0 : i32
        %get3A_780 = arith.constant 6 : i32
        %get3A_781 = arith.index_cast %get3A_779 : i32 to index
        %get3A_782 = arith.index_cast %get3A_780 : i32 to index
        %get3A_783 = arith.index_cast %mul3A_684 : i32 to index
        %get3A_784 = tpu.vector_load %arg5[%get3A_781, %get3A_782, %get3A_783] {strides = array<i32>} : memref<2x8x2048xf32, #tpu.memory_space<vmem>>, vector<1x1x16xf32>,
        %get3A_785 = vector.shape_cast %get3A_784 : vector<1x1x16xf32> to vector<16xf32>
        %mul3A_786 = arith.mulf %get3A_785, %div3A_321 : vector<16xf32>
        %swap3A_787 = arith.constant 0 : i32
        %swap3A_788 = arith.constant 6 : i32
        %swap3A_789 = arith.index_cast %swap3A_787 : i32 to index
        %swap3A_790 = arith.index_cast %swap3A_788 : i32 to index
        %swap3A_791 = arith.index_cast %mul3A_684 : i32 to index
        %swap3A_792 = tpu.vector_load %arg6[%swap3A_789, %swap3A_790, %swap3A_791] {strides = array<i32>} : memref<2x8x2048xf32, #tpu.memory_space<vmem>>, vector<1x1x16xf32>,
        %swap3A_793 = vector.shape_cast %swap3A_792 : vector<1x1x16xf32> to vector<16xf32>
        %swap3A_794 = vector.shape_cast %mul3A_786 : vector<16xf32> to vector<1x1x16xf32>
        tpu.vector_store %arg6[%swap3A_789, %swap3A_790, %swap3A_791], %swap3A_794 {strides = array<i32>} : memref<2x8x2048xf32, #tpu.memory_space<vmem>>, vector<1x1x16xf32>,
        %get3A_795 = arith.constant 0 : i32
        %get3A_796 = arith.constant 7 : i32
        %get3A_797 = arith.index_cast %get3A_795 : i32 to index
        %get3A_798 = arith.index_cast %get3A_796 : i32 to index
        %get3A_799 = arith.index_cast %mul3A_684 : i32 to index
        %get3A_800 = tpu.vector_load %arg5[%get3A_797, %get3A_798, %get3A_799] {strides = array<i32>} : memref<2x8x2048xf32, #tpu.memory_space<vmem>>, vector<1x1x16xf32>,
        %get3A_801 = vector.shape_cast %get3A_800 : vector<1x1x16xf32> to vector<16xf32>
        %mul3A_802 = arith.mulf %get3A_801, %div3A_348 : vector<16xf32>
        %swap3A_803 = arith.constant 0 : i32
        %swap3A_804 = arith.constant 7 : i32
        %swap3A_805 = arith.index_cast %swap3A_803 : i32 to index
        %swap3A_806 = arith.index_cast %swap3A_804 : i32 to index
        %swap3A_807 = arith.index_cast %mul3A_684 : i32 to index
        %swap3A_808 = tpu.vector_load %arg6[%swap3A_805, %swap3A_806, %swap3A_807] {strides = array<i32>} : memref<2x8x2048xf32, #tpu.memory_space<vmem>>, vector<1x1x16xf32>,
        %swap3A_809 = vector.shape_cast %swap3A_808 : vector<1x1x16xf32> to vector<16xf32>
        %swap3A_810 = vector.shape_cast %mul3A_802 : vector<16xf32> to vector<1x1x16xf32>
        tpu.vector_store %arg6[%swap3A_805, %swap3A_806, %swap3A_807], %swap3A_810 {strides = array<i32>} : memref<2x8x2048xf32, #tpu.memory_space<vmem>>, vector<1x1x16xf32>,
        %scan3A_811 = arith.constant 0 : i32
        scf.yield %scan3A_811 : i32
      }
      %scan3A_355 = arith.constant 128 : i32
      %mul3A_356 = arith.constant 8 : i32
      %mul3A_357 = arith.muli %add3A_95, %mul3A_356 : i32
      %add3A_358 = arith.addi %mul3A_2, %mul3A_357 : i32
      %dma_start3A_359 = arith.constant 0 : i32
      %dma_start3A_360 = arith.constant 0 : i32
      %dma_start3A_361 = arith.constant 0 : i32
      %dma_start3A_362 = arith.constant 0 : i32
      %dma_start3A_363 = tpu.memref_slice %arg6[%dma_start3A_359, %dma_start3A_361, %dma_start3A_362] : memref<2x8x2048xf32, #tpu.memory_space<vmem>> -> memref<1x8x2048xf32, #tpu.memory_space<vmem>>
      %dma_start3A_364 = tpu.memref_squeeze %dma_start3A_363 : memref<1x8x2048xf32, #tpu.memory_space<vmem>> -> memref<8x2048xf32, #tpu.memory_space<vmem>>
      %dma_start3A_365 = arith.constant 0 : i32
      %dma_start3A_366 = tpu.memref_slice %arg4[%add3A_358, %dma_start3A_365] : memref<8192x2048xf32, #tpu.memory_space<hbm>> -> memref<8x2048xf32, #tpu.memory_space<hbm>>
      %dma_start3A_367 = tpu.memref_slice %arg9[%dma_start3A_360] : memref<2x!tpu.dma_semaphore, #tpu.memory_space<semaphore_mem>> -> memref<1x!tpu.dma_semaphore, #tpu.memory_space<semaphore_mem>>
      %dma_start3A_368 = tpu.memref_squeeze %dma_start3A_367 : memref<1x!tpu.dma_semaphore, #tpu.memory_space<semaphore_mem>> -> memref<!tpu.dma_semaphore, #tpu.memory_space<semaphore_mem>>
      %dma_start3A_369 = arith.constant 0 : i32
      %dma_start3A_370 = tpu.memref_slice %arg4[%add3A_358, %dma_start3A_369] : memref<8192x2048xf32, #tpu.memory_space<hbm>> -> memref<8x2048xf32, #tpu.memory_space<hbm>>
      %dma_start3A_371 = arith.constant 0 : i32
      %dma_start3A_372 = arith.constant 0 : i32
      %dma_start3A_373 = tpu.memref_slice %arg6[%dma_start3A_359, %dma_start3A_371, %dma_start3A_372] : memref<2x8x2048xf32, #tpu.memory_space<vmem>> -> memref<1x8x2048xf32, #tpu.memory_space<vmem>>
      %dma_start3A_374 = tpu.memref_squeeze %dma_start3A_373 : memref<1x8x2048xf32, #tpu.memory_space<vmem>> -> memref<8x2048xf32, #tpu.memory_space<vmem>>
      tpu.enqueue_dma source(%dma_start3A_374 : memref<8x2048xf32, #tpu.memory_space<vmem>>) target(%dma_start3A_370 : memref<8x2048xf32, #tpu.memory_space<hbm>>) target_semaphore(%dma_start3A_368 : memref<!tpu.dma_semaphore, #tpu.memory_space<semaphore_mem>>)
      %add3A_375 = arith.constant 2 : i32
      %add3A_376 = arith.addi %add3A_95, %add3A_375 : i32
      %lt3A = arith.constant 32 : i32
      %lt3A_377 = arith.cmpi slt, %add3A_376, %lt3A : i32
      %convert_element_type3A_378 = arith.extui %lt3A_377 : i1 to i32
      %cond3A_379 = arith.constant 0 : i32
      %cond3A_380 = arith.cmpi ne, %convert_element_type3A_378, %cond3A_379 : i32
      scf.if %cond3A_380 {
        %add3A_681 = arith.constant 2 : i32
        %add3A_682 = arith.addi %add3A_95, %add3A_681 : i32
        %mul3A_683 = arith.constant 8 : i32
        %mul3A_684 = arith.muli %add3A_682, %mul3A_683 : i32
        %add3A_685 = arith.addi %mul3A_2, %mul3A_684 : i32
        %dma_start3A_686 = arith.constant 0 : i32
        %dma_start3A_687 = arith.constant 0 : i32
        %dma_start3A_688 = arith.constant 0 : i32
        %dma_start3A_689 = arith.constant 0 : i32
        %dma_start3A_690 = tpu.memref_slice %arg5[%dma_start3A_686, %dma_start3A_688, %dma_start3A_689] : memref<2x8x2048xf32, #tpu.memory_space<vmem>> -> memref<1x8x2048xf32, #tpu.memory_space<vmem>>
        %dma_start3A_691 = tpu.memref_squeeze %dma_start3A_690 : memref<1x8x2048xf32, #tpu.memory_space<vmem>> -> memref<8x2048xf32, #tpu.memory_space<vmem>>
        %dma_start3A_692 = arith.constant 0 : i32
        %dma_start3A_693 = tpu.memref_slice %arg2[%add3A_685, %dma_start3A_692] : memref<8192x2048xf32, #tpu.memory_space<hbm>> -> memref<8x2048xf32, #tpu.memory_space<hbm>>
        %dma_start3A_694 = tpu.memref_slice %arg8[%dma_start3A_687] : memref<2x!tpu.dma_semaphore, #tpu.memory_space<semaphore_mem>> -> memref<1x!tpu.dma_semaphore, #tpu.memory_space<semaphore_mem>>
        %dma_start3A_695 = tpu.memref_squeeze %dma_start3A_694 : memref<1x!tpu.dma_semaphore, #tpu.memory_space<semaphore_mem>> -> memref<!tpu.dma_semaphore, #tpu.memory_space<semaphore_mem>>
        %dma_start3A_696 = arith.constant 0 : i32
        %dma_start3A_697 = arith.constant 0 : i32
        %dma_start3A_698 = tpu.memref_slice %arg5[%dma_start3A_686, %dma_start3A_696, %dma_start3A_697] : memref<2x8x2048xf32, #tpu.memory_space<vmem>> -> memref<1x8x2048xf32, #tpu.memory_space<vmem>>
        %dma_start3A_699 = tpu.memref_squeeze %dma_start3A_698 : memref<1x8x2048xf32, #tpu.memory_space<vmem>> -> memref<8x2048xf32, #tpu.memory_space<vmem>>
        %dma_start3A_700 = arith.constant 0 : i32
        %dma_start3A_701 = tpu.memref_slice %arg2[%add3A_685, %dma_start3A_700] : memref<8192x2048xf32, #tpu.memory_space<hbm>> -> memref<8x2048xf32, #tpu.memory_space<hbm>>
        tpu.enqueue_dma source(%dma_start3A_701 : memref<8x2048xf32, #tpu.memory_space<hbm>>) target(%dma_start3A_699 : memref<8x2048xf32, #tpu.memory_space<vmem>>) target_semaphore(%dma_start3A_695 : memref<!tpu.dma_semaphore, #tpu.memory_space<semaphore_mem>>)
      } else {
      }
      %mul3A_381 = arith.constant 2 : i32
      %mul3A_382 = arith.muli %mul3A_381, %scan3A_90 : i32
      %add3A_383 = arith.constant 1 : i32
      %add3A_384 = arith.addi %mul3A_382, %add3A_383 : i32
      %mul3A_385 = arith.constant 8 : i32
      %mul3A_386 = arith.muli %add3A_384, %mul3A_385 : i32
      %add3A_387 = arith.addi %mul3A_2, %mul3A_386 : i32
      %dma_wait3A_388 = arith.constant 1 : i32
      %dma_wait3A_389 = arith.constant 1 : i32
      %dma_wait3A_390 = arith.constant 0 : i32
      %dma_wait3A_391 = arith.constant 0 : i32
      %dma_wait3A_392 = tpu.memref_slice %arg5[%dma_wait3A_388, %dma_wait3A_390, %dma_wait3A_391] : memref<2x8x2048xf32, #tpu.memory_space<vmem>> -> memref<1x8x2048xf32, #tpu.memory_space<vmem>>
      %dma_wait3A_393 = tpu.memref_squeeze %dma_wait3A_392 : memref<1x8x2048xf32, #tpu.memory_space<vmem>> -> memref<8x2048xf32, #tpu.memory_space<vmem>>
      %dma_wait3A_394 = arith.constant 0 : i32
      %dma_wait3A_395 = tpu.memref_slice %arg2[%add3A_387, %dma_wait3A_394] : memref<8192x2048xf32, #tpu.memory_space<hbm>> -> memref<8x2048xf32, #tpu.memory_space<hbm>>
      %dma_wait3A_396 = tpu.memref_slice %arg8[%dma_wait3A_389] : memref<2x!tpu.dma_semaphore, #tpu.memory_space<semaphore_mem>> -> memref<1x!tpu.dma_semaphore, #tpu.memory_space<semaphore_mem>>
      %dma_wait3A_397 = tpu.memref_squeeze %dma_wait3A_396 : memref<1x!tpu.dma_semaphore, #tpu.memory_space<semaphore_mem>> -> memref<!tpu.dma_semaphore, #tpu.memory_space<semaphore_mem>>
      %dma_wait3A_398 = arith.constant 0 : i32
      %dma_wait3A_399 = arith.constant 0 : i32
      %dma_wait3A_400 = tpu.memref_slice %arg5[%dma_wait3A_388, %dma_wait3A_398, %dma_wait3A_399] : memref<2x8x2048xf32, #tpu.memory_space<vmem>> -> memref<1x8x2048xf32, #tpu.memory_space<vmem>>
      %dma_wait3A_401 = tpu.memref_squeeze %dma_wait3A_400 : memref<1x8x2048xf32, #tpu.memory_space<vmem>> -> memref<8x2048xf32, #tpu.memory_space<vmem>>
      %dma_wait3A_402 = arith.constant 0 : i32
      %dma_wait3A_403 = tpu.memref_slice %arg2[%add3A_387, %dma_wait3A_402] : memref<8192x2048xf32, #tpu.memory_space<hbm>> -> memref<8x2048xf32, #tpu.memory_space<hbm>>
      tpu.wait_dma2 semaphore(%dma_wait3A_397 : memref<!tpu.dma_semaphore, #tpu.memory_space<semaphore_mem>>) src(%dma_wait3A_403 : memref<8x2048xf32, #tpu.memory_space<hbm>>) dst(%dma_wait3A_401 : memref<8x2048xf32, #tpu.memory_space<vmem>>)
      %gt3A_404 = arith.constant 0 : i32
      %gt3A_405 = arith.cmpi sgt, %scan3A_90, %gt3A_404 : i32
      %convert_element_type3A_406 = arith.extui %gt3A_405 : i1 to i32
      %cond3A_407 = arith.constant 0 : i32
      %cond3A_408 = arith.cmpi ne, %convert_element_type3A_406, %cond3A_407 : i32
      scf.if %cond3A_408 {
        %mul3A_681 = arith.constant 8 : i32
        %mul3A_682 = arith.muli %add3A_384, %mul3A_681 : i32
        %add3A_683 = arith.addi %mul3A_2, %mul3A_682 : i32
        %dma_wait3A_684 = arith.constant 1 : i32
        %dma_wait3A_685 = arith.constant 1 : i32
        %dma_wait3A_686 = arith.constant 0 : i32
        %dma_wait3A_687 = arith.constant 0 : i32
        %dma_wait3A_688 = tpu.memref_slice %arg6[%dma_wait3A_684, %dma_wait3A_686, %dma_wait3A_687] : memref<2x8x2048xf32, #tpu.memory_space<vmem>> -> memref<1x8x2048xf32, #tpu.memory_space<vmem>>
        %dma_wait3A_689 = tpu.memref_squeeze %dma_wait3A_688 : memref<1x8x2048xf32, #tpu.memory_space<vmem>> -> memref<8x2048xf32, #tpu.memory_space<vmem>>
        %dma_wait3A_690 = arith.constant 0 : i32
        %dma_wait3A_691 = tpu.memref_slice %arg4[%add3A_683, %dma_wait3A_690] : memref<8192x2048xf32, #tpu.memory_space<hbm>> -> memref<8x2048xf32, #tpu.memory_space<hbm>>
        %dma_wait3A_692 = tpu.memref_slice %arg9[%dma_wait3A_685] : memref<2x!tpu.dma_semaphore, #tpu.memory_space<semaphore_mem>> -> memref<1x!tpu.dma_semaphore, #tpu.memory_space<semaphore_mem>>
        %dma_wait3A_693 = tpu.memref_squeeze %dma_wait3A_692 : memref<1x!tpu.dma_semaphore, #tpu.memory_space<semaphore_mem>> -> memref<!tpu.dma_semaphore, #tpu.memory_space<semaphore_mem>>
        %dma_wait3A_694 = arith.constant 0 : i32
        %dma_wait3A_695 = tpu.memref_slice %arg4[%add3A_683, %dma_wait3A_694] : memref<8192x2048xf32, #tpu.memory_space<hbm>> -> memref<8x2048xf32, #tpu.memory_space<hbm>>
        %dma_wait3A_696 = arith.constant 0 : i32
        %dma_wait3A_697 = arith.constant 0 : i32
        %dma_wait3A_698 = tpu.memref_slice %arg6[%dma_wait3A_684, %dma_wait3A_696, %dma_wait3A_697] : memref<2x8x2048xf32, #tpu.memory_space<vmem>> -> memref<1x8x2048xf32, #tpu.memory_space<vmem>>
        %dma_wait3A_699 = tpu.memref_squeeze %dma_wait3A_698 : memref<1x8x2048xf32, #tpu.memory_space<vmem>> -> memref<8x2048xf32, #tpu.memory_space<vmem>>
        tpu.wait_dma2 semaphore(%dma_wait3A_693 : memref<!tpu.dma_semaphore, #tpu.memory_space<semaphore_mem>>) src(%dma_wait3A_699 : memref<8x2048xf32, #tpu.memory_space<vmem>>) dst(%dma_wait3A_695 : memref<8x2048xf32, #tpu.memory_space<hbm>>)
      } else {
      }
      %broadcast_in_dim3A_409 = arith.constant 0.000000e+00 : f32
      %broadcast_in_dim3A_410 = vector.broadcast %broadcast_in_dim3A_409 : f32 to vector<16xf32>
      %broadcast_in_dim3A_411 = arith.constant 0.000000e+00 : f32
      %broadcast_in_dim3A_412 = vector.broadcast %broadcast_in_dim3A_411 : f32 to vector<16xf32>
      %broadcast_in_dim3A_413 = arith.constant 0.000000e+00 : f32
      %broadcast_in_dim3A_414 = vector.broadcast %broadcast_in_dim3A_413 : f32 to vector<16xf32>
      %broadcast_in_dim3A_415 = arith.constant 0.000000e+00 : f32
      %broadcast_in_dim3A_416 = vector.broadcast %broadcast_in_dim3A_415 : f32 to vector<16xf32>
      %broadcast_in_dim3A_417 = arith.constant 0.000000e+00 : f32
      %broadcast_in_dim3A_418 = vector.broadcast %broadcast_in_dim3A_417 : f32 to vector<16xf32>
      %broadcast_in_dim3A_419 = arith.constant 0.000000e+00 : f32
      %broadcast_in_dim3A_420 = vector.broadcast %broadcast_in_dim3A_419 : f32 to vector<16xf32>
      %broadcast_in_dim3A_421 = arith.constant 0.000000e+00 : f32
      %broadcast_in_dim3A_422 = vector.broadcast %broadcast_in_dim3A_421 : f32 to vector<16xf32>
      %broadcast_in_dim3A_423 = arith.constant 0.000000e+00 : f32
      %broadcast_in_dim3A_424 = vector.broadcast %broadcast_in_dim3A_423 : f32 to vector<16xf32>
      %scan3A_425 = arith.constant 0 : i32
      %scan3A_426 = arith.constant 128 : i32
      %scan3A_427 = arith.addi %scan3A_425, %scan3A_426 : i32
      %scan3A_428 = arith.constant 1 : i32
      %scan3A_429:8 = scf.for %scan3A_681 = %scan3A_425 to %scan3A_427 step %scan3A_428 iter_args(%scan3A_682 = %broadcast_in_dim3A_410, %scan3A_683 = %broadcast_in_dim3A_412, %scan3A_684 = %broadcast_in_dim3A_414, %scan3A_685 = %broadcast_in_dim3A_416, %scan3A_686 = %broadcast_in_dim3A_418, %scan3A_687 = %broadcast_in_dim3A_420, %scan3A_688 = %broadcast_in_dim3A_422, %scan3A_689 = %broadcast_in_dim3A_424) -> (vector<16xf32>, vector<16xf32>, vector<16xf32>, vector<16xf32>, vector<16xf32>, vector<16xf32>, vector<16xf32>, vector<16xf32>)  : i32 {
        %mul3A_690 = arith.constant 16 : i32
        %mul3A_691 = arith.muli %scan3A_681, %mul3A_690 : i32
        %get3A = arith.index_cast %mul3A_691 : i32 to index
        %get3A_692 = tpu.vector_load %arg7[%get3A] {strides = array<i32>} : memref<2048xf32, #tpu.memory_space<vmem>>, vector<16xf32>,
        %get3A_693 = vector.shape_cast %get3A_692 : vector<16xf32> to vector<16xf32>
        %get3A_694 = arith.constant 1 : i32
        %get3A_695 = arith.constant 0 : i32
        %get3A_696 = arith.index_cast %get3A_694 : i32 to index
        %get3A_697 = arith.index_cast %get3A_695 : i32 to index
        %get3A_698 = arith.index_cast %mul3A_691 : i32 to index
        %get3A_699 = tpu.vector_load %arg5[%get3A_696, %get3A_697, %get3A_698] {strides = array<i32>} : memref<2x8x2048xf32, #tpu.memory_space<vmem>>, vector<1x1x16xf32>,
        %get3A_700 = vector.shape_cast %get3A_699 : vector<1x1x16xf32> to vector<16xf32>
        %mul3A_701 = arith.mulf %get3A_700, %get3A_693 : vector<16xf32>
        %add3A_702 = arith.addf %scan3A_682, %mul3A_701 : vector<16xf32>
        %get3A_703 = arith.constant 1 : i32
        %get3A_704 = arith.constant 1 : i32
        %get3A_705 = arith.index_cast %get3A_703 : i32 to index
        %get3A_706 = arith.index_cast %get3A_704 : i32 to index
        %get3A_707 = arith.index_cast %mul3A_691 : i32 to index
        %get3A_708 = tpu.vector_load %arg5[%get3A_705, %get3A_706, %get3A_707] {strides = array<i32>} : memref<2x8x2048xf32, #tpu.memory_space<vmem>>, vector<1x1x16xf32>,
        %get3A_709 = vector.shape_cast %get3A_708 : vector<1x1x16xf32> to vector<16xf32>
        %mul3A_710 = arith.mulf %get3A_709, %get3A_693 : vector<16xf32>
        %add3A_711 = arith.addf %scan3A_683, %mul3A_710 : vector<16xf32>
        %get3A_712 = arith.constant 1 : i32
        %get3A_713 = arith.constant 2 : i32
        %get3A_714 = arith.index_cast %get3A_712 : i32 to index
        %get3A_715 = arith.index_cast %get3A_713 : i32 to index
        %get3A_716 = arith.index_cast %mul3A_691 : i32 to index
        %get3A_717 = tpu.vector_load %arg5[%get3A_714, %get3A_715, %get3A_716] {strides = array<i32>} : memref<2x8x2048xf32, #tpu.memory_space<vmem>>, vector<1x1x16xf32>,
        %get3A_718 = vector.shape_cast %get3A_717 : vector<1x1x16xf32> to vector<16xf32>
        %mul3A_719 = arith.mulf %get3A_718, %get3A_693 : vector<16xf32>
        %add3A_720 = arith.addf %scan3A_684, %mul3A_719 : vector<16xf32>
        %get3A_721 = arith.constant 1 : i32
        %get3A_722 = arith.constant 3 : i32
        %get3A_723 = arith.index_cast %get3A_721 : i32 to index
        %get3A_724 = arith.index_cast %get3A_722 : i32 to index
        %get3A_725 = arith.index_cast %mul3A_691 : i32 to index
        %get3A_726 = tpu.vector_load %arg5[%get3A_723, %get3A_724, %get3A_725] {strides = array<i32>} : memref<2x8x2048xf32, #tpu.memory_space<vmem>>, vector<1x1x16xf32>,
        %get3A_727 = vector.shape_cast %get3A_726 : vector<1x1x16xf32> to vector<16xf32>
        %mul3A_728 = arith.mulf %get3A_727, %get3A_693 : vector<16xf32>
        %add3A_729 = arith.addf %scan3A_685, %mul3A_728 : vector<16xf32>
        %get3A_730 = arith.constant 1 : i32
        %get3A_731 = arith.constant 4 : i32
        %get3A_732 = arith.index_cast %get3A_730 : i32 to index
        %get3A_733 = arith.index_cast %get3A_731 : i32 to index
        %get3A_734 = arith.index_cast %mul3A_691 : i32 to index
        %get3A_735 = tpu.vector_load %arg5[%get3A_732, %get3A_733, %get3A_734] {strides = array<i32>} : memref<2x8x2048xf32, #tpu.memory_space<vmem>>, vector<1x1x16xf32>,
        %get3A_736 = vector.shape_cast %get3A_735 : vector<1x1x16xf32> to vector<16xf32>
        %mul3A_737 = arith.mulf %get3A_736, %get3A_693 : vector<16xf32>
        %add3A_738 = arith.addf %scan3A_686, %mul3A_737 : vector<16xf32>
        %get3A_739 = arith.constant 1 : i32
        %get3A_740 = arith.constant 5 : i32
        %get3A_741 = arith.index_cast %get3A_739 : i32 to index
        %get3A_742 = arith.index_cast %get3A_740 : i32 to index
        %get3A_743 = arith.index_cast %mul3A_691 : i32 to index
        %get3A_744 = tpu.vector_load %arg5[%get3A_741, %get3A_742, %get3A_743] {strides = array<i32>} : memref<2x8x2048xf32, #tpu.memory_space<vmem>>, vector<1x1x16xf32>,
        %get3A_745 = vector.shape_cast %get3A_744 : vector<1x1x16xf32> to vector<16xf32>
        %mul3A_746 = arith.mulf %get3A_745, %get3A_693 : vector<16xf32>
        %add3A_747 = arith.addf %scan3A_687, %mul3A_746 : vector<16xf32>
        %get3A_748 = arith.constant 1 : i32
        %get3A_749 = arith.constant 6 : i32
        %get3A_750 = arith.index_cast %get3A_748 : i32 to index
        %get3A_751 = arith.index_cast %get3A_749 : i32 to index
        %get3A_752 = arith.index_cast %mul3A_691 : i32 to index
        %get3A_753 = tpu.vector_load %arg5[%get3A_750, %get3A_751, %get3A_752] {strides = array<i32>} : memref<2x8x2048xf32, #tpu.memory_space<vmem>>, vector<1x1x16xf32>,
        %get3A_754 = vector.shape_cast %get3A_753 : vector<1x1x16xf32> to vector<16xf32>
        %mul3A_755 = arith.mulf %get3A_754, %get3A_693 : vector<16xf32>
        %add3A_756 = arith.addf %scan3A_688, %mul3A_755 : vector<16xf32>
        %get3A_757 = arith.constant 1 : i32
        %get3A_758 = arith.constant 7 : i32
        %get3A_759 = arith.index_cast %get3A_757 : i32 to index
        %get3A_760 = arith.index_cast %get3A_758 : i32 to index
        %get3A_761 = arith.index_cast %mul3A_691 : i32 to index
        %get3A_762 = tpu.vector_load %arg5[%get3A_759, %get3A_760, %get3A_761] {strides = array<i32>} : memref<2x8x2048xf32, #tpu.memory_space<vmem>>, vector<1x1x16xf32>,
        %get3A_763 = vector.shape_cast %get3A_762 : vector<1x1x16xf32> to vector<16xf32>
        %mul3A_764 = arith.mulf %get3A_763, %get3A_693 : vector<16xf32>
        %add3A_765 = arith.addf %scan3A_689, %mul3A_764 : vector<16xf32>
        scf.yield %add3A_702, %add3A_711, %add3A_720, %add3A_729, %add3A_738, %add3A_747, %add3A_756, %add3A_765 : vector<16xf32>, vector<16xf32>, vector<16xf32>, vector<16xf32>, vector<16xf32>, vector<16xf32>, vector<16xf32>, vector<16xf32>
      }
      %scan3A_430 = arith.constant 128 : i32
      %broadcast_in_dim3A_431 = vector.shape_cast %xor3A_4 : vector<16xi32> to vector<16x1xi32>
      %gather3A_432 = vector.shape_cast %broadcast_in_dim3A_431 : vector<16x1xi32> to vector<16xi32>
      %gather3A_433 = tpu.dynamic_gather %scan3A_429#0[%gather3A_432] in [0] : vector<16xf32>, vector<16xi32> -> vector<16xf32>
      %add3A_434 = arith.addf %scan3A_429#0, %gather3A_433 : vector<16xf32>
      %broadcast_in_dim3A_435 = vector.shape_cast %xor3A_7 : vector<16xi32> to vector<16x1xi32>
      %gather3A_436 = vector.shape_cast %broadcast_in_dim3A_435 : vector<16x1xi32> to vector<16xi32>
      %gather3A_437 = tpu.dynamic_gather %add3A_434[%gather3A_436] in [0] : vector<16xf32>, vector<16xi32> -> vector<16xf32>
      %add3A_438 = arith.addf %add3A_434, %gather3A_437 : vector<16xf32>
      %broadcast_in_dim3A_439 = vector.shape_cast %xor3A_10 : vector<16xi32> to vector<16x1xi32>
      %gather3A_440 = vector.shape_cast %broadcast_in_dim3A_439 : vector<16x1xi32> to vector<16xi32>
      %gather3A_441 = tpu.dynamic_gather %add3A_438[%gather3A_440] in [0] : vector<16xf32>, vector<16xi32> -> vector<16xf32>
      %add3A_442 = arith.addf %add3A_438, %gather3A_441 : vector<16xf32>
      %broadcast_in_dim3A_443 = vector.shape_cast %xor3A_13 : vector<16xi32> to vector<16x1xi32>
      %gather3A_444 = vector.shape_cast %broadcast_in_dim3A_443 : vector<16x1xi32> to vector<16xi32>
      %gather3A_445 = tpu.dynamic_gather %add3A_442[%gather3A_444] in [0] : vector<16xf32>, vector<16xi32> -> vector<16xf32>
      %add3A_446 = arith.addf %add3A_442, %gather3A_445 : vector<16xf32>
      %abs3A_447 = math.absf %add3A_446 : vector<16xf32>
      %neg3A_448 = arith.constant 0.000000e+00 : f32
      %neg3A_449 = vector.broadcast %neg3A_448 : f32 to vector<16xf32>
      %neg3A_450 = arith.subf %neg3A_449, %abs3A_447 : vector<16xf32>
      %exp3A_451 = math.exp %neg3A_450 : vector<16xf32>
      %add3A_452 = arith.constant 1.000000e+00 : f32
      %add3A_453 = vector.broadcast %add3A_452 : f32 to vector<16xf32>
      %add3A_454 = arith.addf %add3A_453, %exp3A_451 : vector<16xf32>
      %div3A_455 = arith.constant 1.000000e+00 : f32
      %div3A_456 = vector.broadcast %div3A_455 : f32 to vector<16xf32>
      %div3A_457 = arith.divf %div3A_456, %add3A_454 : vector<16xf32>
      %broadcast_in_dim3A_458 = vector.shape_cast %xor3A_4 : vector<16xi32> to vector<16x1xi32>
      %gather3A_459 = vector.shape_cast %broadcast_in_dim3A_458 : vector<16x1xi32> to vector<16xi32>
      %gather3A_460 = tpu.dynamic_gather %scan3A_429#1[%gather3A_459] in [0] : vector<16xf32>, vector<16xi32> -> vector<16xf32>
      %add3A_461 = arith.addf %scan3A_429#1, %gather3A_460 : vector<16xf32>
      %broadcast_in_dim3A_462 = vector.shape_cast %xor3A_7 : vector<16xi32> to vector<16x1xi32>
      %gather3A_463 = vector.shape_cast %broadcast_in_dim3A_462 : vector<16x1xi32> to vector<16xi32>
      %gather3A_464 = tpu.dynamic_gather %add3A_461[%gather3A_463] in [0] : vector<16xf32>, vector<16xi32> -> vector<16xf32>
      %add3A_465 = arith.addf %add3A_461, %gather3A_464 : vector<16xf32>
      %broadcast_in_dim3A_466 = vector.shape_cast %xor3A_10 : vector<16xi32> to vector<16x1xi32>
      %gather3A_467 = vector.shape_cast %broadcast_in_dim3A_466 : vector<16x1xi32> to vector<16xi32>
      %gather3A_468 = tpu.dynamic_gather %add3A_465[%gather3A_467] in [0] : vector<16xf32>, vector<16xi32> -> vector<16xf32>
      %add3A_469 = arith.addf %add3A_465, %gather3A_468 : vector<16xf32>
      %broadcast_in_dim3A_470 = vector.shape_cast %xor3A_13 : vector<16xi32> to vector<16x1xi32>
      %gather3A_471 = vector.shape_cast %broadcast_in_dim3A_470 : vector<16x1xi32> to vector<16xi32>
      %gather3A_472 = tpu.dynamic_gather %add3A_469[%gather3A_471] in [0] : vector<16xf32>, vector<16xi32> -> vector<16xf32>
      %add3A_473 = arith.addf %add3A_469, %gather3A_472 : vector<16xf32>
      %abs3A_474 = math.absf %add3A_473 : vector<16xf32>
      %neg3A_475 = arith.constant 0.000000e+00 : f32
      %neg3A_476 = vector.broadcast %neg3A_475 : f32 to vector<16xf32>
      %neg3A_477 = arith.subf %neg3A_476, %abs3A_474 : vector<16xf32>
      %exp3A_478 = math.exp %neg3A_477 : vector<16xf32>
      %add3A_479 = arith.constant 1.000000e+00 : f32
      %add3A_480 = vector.broadcast %add3A_479 : f32 to vector<16xf32>
      %add3A_481 = arith.addf %add3A_480, %exp3A_478 : vector<16xf32>
      %div3A_482 = arith.constant 1.000000e+00 : f32
      %div3A_483 = vector.broadcast %div3A_482 : f32 to vector<16xf32>
      %div3A_484 = arith.divf %div3A_483, %add3A_481 : vector<16xf32>
      %broadcast_in_dim3A_485 = vector.shape_cast %xor3A_4 : vector<16xi32> to vector<16x1xi32>
      %gather3A_486 = vector.shape_cast %broadcast_in_dim3A_485 : vector<16x1xi32> to vector<16xi32>
      %gather3A_487 = tpu.dynamic_gather %scan3A_429#2[%gather3A_486] in [0] : vector<16xf32>, vector<16xi32> -> vector<16xf32>
      %add3A_488 = arith.addf %scan3A_429#2, %gather3A_487 : vector<16xf32>
      %broadcast_in_dim3A_489 = vector.shape_cast %xor3A_7 : vector<16xi32> to vector<16x1xi32>
      %gather3A_490 = vector.shape_cast %broadcast_in_dim3A_489 : vector<16x1xi32> to vector<16xi32>
      %gather3A_491 = tpu.dynamic_gather %add3A_488[%gather3A_490] in [0] : vector<16xf32>, vector<16xi32> -> vector<16xf32>
      %add3A_492 = arith.addf %add3A_488, %gather3A_491 : vector<16xf32>
      %broadcast_in_dim3A_493 = vector.shape_cast %xor3A_10 : vector<16xi32> to vector<16x1xi32>
      %gather3A_494 = vector.shape_cast %broadcast_in_dim3A_493 : vector<16x1xi32> to vector<16xi32>
      %gather3A_495 = tpu.dynamic_gather %add3A_492[%gather3A_494] in [0] : vector<16xf32>, vector<16xi32> -> vector<16xf32>
      %add3A_496 = arith.addf %add3A_492, %gather3A_495 : vector<16xf32>
      %broadcast_in_dim3A_497 = vector.shape_cast %xor3A_13 : vector<16xi32> to vector<16x1xi32>
      %gather3A_498 = vector.shape_cast %broadcast_in_dim3A_497 : vector<16x1xi32> to vector<16xi32>
      %gather3A_499 = tpu.dynamic_gather %add3A_496[%gather3A_498] in [0] : vector<16xf32>, vector<16xi32> -> vector<16xf32>
      %add3A_500 = arith.addf %add3A_496, %gather3A_499 : vector<16xf32>
      %abs3A_501 = math.absf %add3A_500 : vector<16xf32>
      %neg3A_502 = arith.constant 0.000000e+00 : f32
      %neg3A_503 = vector.broadcast %neg3A_502 : f32 to vector<16xf32>
      %neg3A_504 = arith.subf %neg3A_503, %abs3A_501 : vector<16xf32>
      %exp3A_505 = math.exp %neg3A_504 : vector<16xf32>
      %add3A_506 = arith.constant 1.000000e+00 : f32
      %add3A_507 = vector.broadcast %add3A_506 : f32 to vector<16xf32>
      %add3A_508 = arith.addf %add3A_507, %exp3A_505 : vector<16xf32>
      %div3A_509 = arith.constant 1.000000e+00 : f32
      %div3A_510 = vector.broadcast %div3A_509 : f32 to vector<16xf32>
      %div3A_511 = arith.divf %div3A_510, %add3A_508 : vector<16xf32>
      %broadcast_in_dim3A_512 = vector.shape_cast %xor3A_4 : vector<16xi32> to vector<16x1xi32>
      %gather3A_513 = vector.shape_cast %broadcast_in_dim3A_512 : vector<16x1xi32> to vector<16xi32>
      %gather3A_514 = tpu.dynamic_gather %scan3A_429#3[%gather3A_513] in [0] : vector<16xf32>, vector<16xi32> -> vector<16xf32>
      %add3A_515 = arith.addf %scan3A_429#3, %gather3A_514 : vector<16xf32>
      %broadcast_in_dim3A_516 = vector.shape_cast %xor3A_7 : vector<16xi32> to vector<16x1xi32>
      %gather3A_517 = vector.shape_cast %broadcast_in_dim3A_516 : vector<16x1xi32> to vector<16xi32>
      %gather3A_518 = tpu.dynamic_gather %add3A_515[%gather3A_517] in [0] : vector<16xf32>, vector<16xi32> -> vector<16xf32>
      %add3A_519 = arith.addf %add3A_515, %gather3A_518 : vector<16xf32>
      %broadcast_in_dim3A_520 = vector.shape_cast %xor3A_10 : vector<16xi32> to vector<16x1xi32>
      %gather3A_521 = vector.shape_cast %broadcast_in_dim3A_520 : vector<16x1xi32> to vector<16xi32>
      %gather3A_522 = tpu.dynamic_gather %add3A_519[%gather3A_521] in [0] : vector<16xf32>, vector<16xi32> -> vector<16xf32>
      %add3A_523 = arith.addf %add3A_519, %gather3A_522 : vector<16xf32>
      %broadcast_in_dim3A_524 = vector.shape_cast %xor3A_13 : vector<16xi32> to vector<16x1xi32>
      %gather3A_525 = vector.shape_cast %broadcast_in_dim3A_524 : vector<16x1xi32> to vector<16xi32>
      %gather3A_526 = tpu.dynamic_gather %add3A_523[%gather3A_525] in [0] : vector<16xf32>, vector<16xi32> -> vector<16xf32>
      %add3A_527 = arith.addf %add3A_523, %gather3A_526 : vector<16xf32>
      %abs3A_528 = math.absf %add3A_527 : vector<16xf32>
      %neg3A_529 = arith.constant 0.000000e+00 : f32
      %neg3A_530 = vector.broadcast %neg3A_529 : f32 to vector<16xf32>
      %neg3A_531 = arith.subf %neg3A_530, %abs3A_528 : vector<16xf32>
      %exp3A_532 = math.exp %neg3A_531 : vector<16xf32>
      %add3A_533 = arith.constant 1.000000e+00 : f32
      %add3A_534 = vector.broadcast %add3A_533 : f32 to vector<16xf32>
      %add3A_535 = arith.addf %add3A_534, %exp3A_532 : vector<16xf32>
      %div3A_536 = arith.constant 1.000000e+00 : f32
      %div3A_537 = vector.broadcast %div3A_536 : f32 to vector<16xf32>
      %div3A_538 = arith.divf %div3A_537, %add3A_535 : vector<16xf32>
      %broadcast_in_dim3A_539 = vector.shape_cast %xor3A_4 : vector<16xi32> to vector<16x1xi32>
      %gather3A_540 = vector.shape_cast %broadcast_in_dim3A_539 : vector<16x1xi32> to vector<16xi32>
      %gather3A_541 = tpu.dynamic_gather %scan3A_429#4[%gather3A_540] in [0] : vector<16xf32>, vector<16xi32> -> vector<16xf32>
      %add3A_542 = arith.addf %scan3A_429#4, %gather3A_541 : vector<16xf32>
      %broadcast_in_dim3A_543 = vector.shape_cast %xor3A_7 : vector<16xi32> to vector<16x1xi32>
      %gather3A_544 = vector.shape_cast %broadcast_in_dim3A_543 : vector<16x1xi32> to vector<16xi32>
      %gather3A_545 = tpu.dynamic_gather %add3A_542[%gather3A_544] in [0] : vector<16xf32>, vector<16xi32> -> vector<16xf32>
      %add3A_546 = arith.addf %add3A_542, %gather3A_545 : vector<16xf32>
      %broadcast_in_dim3A_547 = vector.shape_cast %xor3A_10 : vector<16xi32> to vector<16x1xi32>
      %gather3A_548 = vector.shape_cast %broadcast_in_dim3A_547 : vector<16x1xi32> to vector<16xi32>
      %gather3A_549 = tpu.dynamic_gather %add3A_546[%gather3A_548] in [0] : vector<16xf32>, vector<16xi32> -> vector<16xf32>
      %add3A_550 = arith.addf %add3A_546, %gather3A_549 : vector<16xf32>
      %broadcast_in_dim3A_551 = vector.shape_cast %xor3A_13 : vector<16xi32> to vector<16x1xi32>
      %gather3A_552 = vector.shape_cast %broadcast_in_dim3A_551 : vector<16x1xi32> to vector<16xi32>
      %gather3A_553 = tpu.dynamic_gather %add3A_550[%gather3A_552] in [0] : vector<16xf32>, vector<16xi32> -> vector<16xf32>
      %add3A_554 = arith.addf %add3A_550, %gather3A_553 : vector<16xf32>
      %abs3A_555 = math.absf %add3A_554 : vector<16xf32>
      %neg3A_556 = arith.constant 0.000000e+00 : f32
      %neg3A_557 = vector.broadcast %neg3A_556 : f32 to vector<16xf32>
      %neg3A_558 = arith.subf %neg3A_557, %abs3A_555 : vector<16xf32>
      %exp3A_559 = math.exp %neg3A_558 : vector<16xf32>
      %add3A_560 = arith.constant 1.000000e+00 : f32
      %add3A_561 = vector.broadcast %add3A_560 : f32 to vector<16xf32>
      %add3A_562 = arith.addf %add3A_561, %exp3A_559 : vector<16xf32>
      %div3A_563 = arith.constant 1.000000e+00 : f32
      %div3A_564 = vector.broadcast %div3A_563 : f32 to vector<16xf32>
      %div3A_565 = arith.divf %div3A_564, %add3A_562 : vector<16xf32>
      %broadcast_in_dim3A_566 = vector.shape_cast %xor3A_4 : vector<16xi32> to vector<16x1xi32>
      %gather3A_567 = vector.shape_cast %broadcast_in_dim3A_566 : vector<16x1xi32> to vector<16xi32>
      %gather3A_568 = tpu.dynamic_gather %scan3A_429#5[%gather3A_567] in [0] : vector<16xf32>, vector<16xi32> -> vector<16xf32>
      %add3A_569 = arith.addf %scan3A_429#5, %gather3A_568 : vector<16xf32>
      %broadcast_in_dim3A_570 = vector.shape_cast %xor3A_7 : vector<16xi32> to vector<16x1xi32>
      %gather3A_571 = vector.shape_cast %broadcast_in_dim3A_570 : vector<16x1xi32> to vector<16xi32>
      %gather3A_572 = tpu.dynamic_gather %add3A_569[%gather3A_571] in [0] : vector<16xf32>, vector<16xi32> -> vector<16xf32>
      %add3A_573 = arith.addf %add3A_569, %gather3A_572 : vector<16xf32>
      %broadcast_in_dim3A_574 = vector.shape_cast %xor3A_10 : vector<16xi32> to vector<16x1xi32>
      %gather3A_575 = vector.shape_cast %broadcast_in_dim3A_574 : vector<16x1xi32> to vector<16xi32>
      %gather3A_576 = tpu.dynamic_gather %add3A_573[%gather3A_575] in [0] : vector<16xf32>, vector<16xi32> -> vector<16xf32>
      %add3A_577 = arith.addf %add3A_573, %gather3A_576 : vector<16xf32>
      %broadcast_in_dim3A_578 = vector.shape_cast %xor3A_13 : vector<16xi32> to vector<16x1xi32>
      %gather3A_579 = vector.shape_cast %broadcast_in_dim3A_578 : vector<16x1xi32> to vector<16xi32>
      %gather3A_580 = tpu.dynamic_gather %add3A_577[%gather3A_579] in [0] : vector<16xf32>, vector<16xi32> -> vector<16xf32>
      %add3A_581 = arith.addf %add3A_577, %gather3A_580 : vector<16xf32>
      %abs3A_582 = math.absf %add3A_581 : vector<16xf32>
      %neg3A_583 = arith.constant 0.000000e+00 : f32
      %neg3A_584 = vector.broadcast %neg3A_583 : f32 to vector<16xf32>
      %neg3A_585 = arith.subf %neg3A_584, %abs3A_582 : vector<16xf32>
      %exp3A_586 = math.exp %neg3A_585 : vector<16xf32>
      %add3A_587 = arith.constant 1.000000e+00 : f32
      %add3A_588 = vector.broadcast %add3A_587 : f32 to vector<16xf32>
      %add3A_589 = arith.addf %add3A_588, %exp3A_586 : vector<16xf32>
      %div3A_590 = arith.constant 1.000000e+00 : f32
      %div3A_591 = vector.broadcast %div3A_590 : f32 to vector<16xf32>
      %div3A_592 = arith.divf %div3A_591, %add3A_589 : vector<16xf32>
      %broadcast_in_dim3A_593 = vector.shape_cast %xor3A_4 : vector<16xi32> to vector<16x1xi32>
      %gather3A_594 = vector.shape_cast %broadcast_in_dim3A_593 : vector<16x1xi32> to vector<16xi32>
      %gather3A_595 = tpu.dynamic_gather %scan3A_429#6[%gather3A_594] in [0] : vector<16xf32>, vector<16xi32> -> vector<16xf32>
      %add3A_596 = arith.addf %scan3A_429#6, %gather3A_595 : vector<16xf32>
      %broadcast_in_dim3A_597 = vector.shape_cast %xor3A_7 : vector<16xi32> to vector<16x1xi32>
      %gather3A_598 = vector.shape_cast %broadcast_in_dim3A_597 : vector<16x1xi32> to vector<16xi32>
      %gather3A_599 = tpu.dynamic_gather %add3A_596[%gather3A_598] in [0] : vector<16xf32>, vector<16xi32> -> vector<16xf32>
      %add3A_600 = arith.addf %add3A_596, %gather3A_599 : vector<16xf32>
      %broadcast_in_dim3A_601 = vector.shape_cast %xor3A_10 : vector<16xi32> to vector<16x1xi32>
      %gather3A_602 = vector.shape_cast %broadcast_in_dim3A_601 : vector<16x1xi32> to vector<16xi32>
      %gather3A_603 = tpu.dynamic_gather %add3A_600[%gather3A_602] in [0] : vector<16xf32>, vector<16xi32> -> vector<16xf32>
      %add3A_604 = arith.addf %add3A_600, %gather3A_603 : vector<16xf32>
      %broadcast_in_dim3A_605 = vector.shape_cast %xor3A_13 : vector<16xi32> to vector<16x1xi32>
      %gather3A_606 = vector.shape_cast %broadcast_in_dim3A_605 : vector<16x1xi32> to vector<16xi32>
      %gather3A_607 = tpu.dynamic_gather %add3A_604[%gather3A_606] in [0] : vector<16xf32>, vector<16xi32> -> vector<16xf32>
      %add3A_608 = arith.addf %add3A_604, %gather3A_607 : vector<16xf32>
      %abs3A_609 = math.absf %add3A_608 : vector<16xf32>
      %neg3A_610 = arith.constant 0.000000e+00 : f32
      %neg3A_611 = vector.broadcast %neg3A_610 : f32 to vector<16xf32>
      %neg3A_612 = arith.subf %neg3A_611, %abs3A_609 : vector<16xf32>
      %exp3A_613 = math.exp %neg3A_612 : vector<16xf32>
      %add3A_614 = arith.constant 1.000000e+00 : f32
      %add3A_615 = vector.broadcast %add3A_614 : f32 to vector<16xf32>
      %add3A_616 = arith.addf %add3A_615, %exp3A_613 : vector<16xf32>
      %div3A_617 = arith.constant 1.000000e+00 : f32
      %div3A_618 = vector.broadcast %div3A_617 : f32 to vector<16xf32>
      %div3A_619 = arith.divf %div3A_618, %add3A_616 : vector<16xf32>
      %broadcast_in_dim3A_620 = vector.shape_cast %xor3A_4 : vector<16xi32> to vector<16x1xi32>
      %gather3A_621 = vector.shape_cast %broadcast_in_dim3A_620 : vector<16x1xi32> to vector<16xi32>
      %gather3A_622 = tpu.dynamic_gather %scan3A_429#7[%gather3A_621] in [0] : vector<16xf32>, vector<16xi32> -> vector<16xf32>
      %add3A_623 = arith.addf %scan3A_429#7, %gather3A_622 : vector<16xf32>
      %broadcast_in_dim3A_624 = vector.shape_cast %xor3A_7 : vector<16xi32> to vector<16x1xi32>
      %gather3A_625 = vector.shape_cast %broadcast_in_dim3A_624 : vector<16x1xi32> to vector<16xi32>
      %gather3A_626 = tpu.dynamic_gather %add3A_623[%gather3A_625] in [0] : vector<16xf32>, vector<16xi32> -> vector<16xf32>
      %add3A_627 = arith.addf %add3A_623, %gather3A_626 : vector<16xf32>
      %broadcast_in_dim3A_628 = vector.shape_cast %xor3A_10 : vector<16xi32> to vector<16x1xi32>
      %gather3A_629 = vector.shape_cast %broadcast_in_dim3A_628 : vector<16x1xi32> to vector<16xi32>
      %gather3A_630 = tpu.dynamic_gather %add3A_627[%gather3A_629] in [0] : vector<16xf32>, vector<16xi32> -> vector<16xf32>
      %add3A_631 = arith.addf %add3A_627, %gather3A_630 : vector<16xf32>
      %broadcast_in_dim3A_632 = vector.shape_cast %xor3A_13 : vector<16xi32> to vector<16x1xi32>
      %gather3A_633 = vector.shape_cast %broadcast_in_dim3A_632 : vector<16x1xi32> to vector<16xi32>
      %gather3A_634 = tpu.dynamic_gather %add3A_631[%gather3A_633] in [0] : vector<16xf32>, vector<16xi32> -> vector<16xf32>
      %add3A_635 = arith.addf %add3A_631, %gather3A_634 : vector<16xf32>
      %abs3A_636 = math.absf %add3A_635 : vector<16xf32>
      %neg3A_637 = arith.constant 0.000000e+00 : f32
      %neg3A_638 = vector.broadcast %neg3A_637 : f32 to vector<16xf32>
      %neg3A_639 = arith.subf %neg3A_638, %abs3A_636 : vector<16xf32>
      %exp3A_640 = math.exp %neg3A_639 : vector<16xf32>
      %add3A_641 = arith.constant 1.000000e+00 : f32
      %add3A_642 = vector.broadcast %add3A_641 : f32 to vector<16xf32>
      %add3A_643 = arith.addf %add3A_642, %exp3A_640 : vector<16xf32>
      %div3A_644 = arith.constant 1.000000e+00 : f32
      %div3A_645 = vector.broadcast %div3A_644 : f32 to vector<16xf32>
      %div3A_646 = arith.divf %div3A_645, %add3A_643 : vector<16xf32>
      %scan3A_647 = arith.constant 0 : i32
      %scan3A_648 = arith.constant 0 : i32
      %scan3A_649 = arith.constant 128 : i32
      %scan3A_650 = arith.addi %scan3A_648, %scan3A_649 : i32
      %scan3A_651 = arith.constant 1 : i32
      %scan3A_652 = scf.for %scan3A_681 = %scan3A_648 to %scan3A_650 step %scan3A_651 iter_args(%scan3A_682 = %scan3A_647) -> (i32)  : i32 {
        %mul3A_683 = arith.constant 16 : i32
        %mul3A_684 = arith.muli %scan3A_681, %mul3A_683 : i32
        %get3A = arith.constant 1 : i32
        %get3A_685 = arith.constant 0 : i32
        %get3A_686 = arith.index_cast %get3A : i32 to index
        %get3A_687 = arith.index_cast %get3A_685 : i32 to index
        %get3A_688 = arith.index_cast %mul3A_684 : i32 to index
        %get3A_689 = tpu.vector_load %arg5[%get3A_686, %get3A_687, %get3A_688] {strides = array<i32>} : memref<2x8x2048xf32, #tpu.memory_space<vmem>>, vector<1x1x16xf32>,
        %get3A_690 = vector.shape_cast %get3A_689 : vector<1x1x16xf32> to vector<16xf32>
        %mul3A_691 = arith.mulf %get3A_690, %div3A_457 : vector<16xf32>
        %swap3A = arith.constant 1 : i32
        %swap3A_692 = arith.constant 0 : i32
        %swap3A_693 = arith.index_cast %swap3A : i32 to index
        %swap3A_694 = arith.index_cast %swap3A_692 : i32 to index
        %swap3A_695 = arith.index_cast %mul3A_684 : i32 to index
        %swap3A_696 = tpu.vector_load %arg6[%swap3A_693, %swap3A_694, %swap3A_695] {strides = array<i32>} : memref<2x8x2048xf32, #tpu.memory_space<vmem>>, vector<1x1x16xf32>,
        %swap3A_697 = vector.shape_cast %swap3A_696 : vector<1x1x16xf32> to vector<16xf32>
        %swap3A_698 = vector.shape_cast %mul3A_691 : vector<16xf32> to vector<1x1x16xf32>
        tpu.vector_store %arg6[%swap3A_693, %swap3A_694, %swap3A_695], %swap3A_698 {strides = array<i32>} : memref<2x8x2048xf32, #tpu.memory_space<vmem>>, vector<1x1x16xf32>,
        %get3A_699 = arith.constant 1 : i32
        %get3A_700 = arith.constant 1 : i32
        %get3A_701 = arith.index_cast %get3A_699 : i32 to index
        %get3A_702 = arith.index_cast %get3A_700 : i32 to index
        %get3A_703 = arith.index_cast %mul3A_684 : i32 to index
        %get3A_704 = tpu.vector_load %arg5[%get3A_701, %get3A_702, %get3A_703] {strides = array<i32>} : memref<2x8x2048xf32, #tpu.memory_space<vmem>>, vector<1x1x16xf32>,
        %get3A_705 = vector.shape_cast %get3A_704 : vector<1x1x16xf32> to vector<16xf32>
        %mul3A_706 = arith.mulf %get3A_705, %div3A_484 : vector<16xf32>
        %swap3A_707 = arith.constant 1 : i32
        %swap3A_708 = arith.constant 1 : i32
        %swap3A_709 = arith.index_cast %swap3A_707 : i32 to index
        %swap3A_710 = arith.index_cast %swap3A_708 : i32 to index
        %swap3A_711 = arith.index_cast %mul3A_684 : i32 to index
        %swap3A_712 = tpu.vector_load %arg6[%swap3A_709, %swap3A_710, %swap3A_711] {strides = array<i32>} : memref<2x8x2048xf32, #tpu.memory_space<vmem>>, vector<1x1x16xf32>,
        %swap3A_713 = vector.shape_cast %swap3A_712 : vector<1x1x16xf32> to vector<16xf32>
        %swap3A_714 = vector.shape_cast %mul3A_706 : vector<16xf32> to vector<1x1x16xf32>
        tpu.vector_store %arg6[%swap3A_709, %swap3A_710, %swap3A_711], %swap3A_714 {strides = array<i32>} : memref<2x8x2048xf32, #tpu.memory_space<vmem>>, vector<1x1x16xf32>,
        %get3A_715 = arith.constant 1 : i32
        %get3A_716 = arith.constant 2 : i32
        %get3A_717 = arith.index_cast %get3A_715 : i32 to index
        %get3A_718 = arith.index_cast %get3A_716 : i32 to index
        %get3A_719 = arith.index_cast %mul3A_684 : i32 to index
        %get3A_720 = tpu.vector_load %arg5[%get3A_717, %get3A_718, %get3A_719] {strides = array<i32>} : memref<2x8x2048xf32, #tpu.memory_space<vmem>>, vector<1x1x16xf32>,
        %get3A_721 = vector.shape_cast %get3A_720 : vector<1x1x16xf32> to vector<16xf32>
        %mul3A_722 = arith.mulf %get3A_721, %div3A_511 : vector<16xf32>
        %swap3A_723 = arith.constant 1 : i32
        %swap3A_724 = arith.constant 2 : i32
        %swap3A_725 = arith.index_cast %swap3A_723 : i32 to index
        %swap3A_726 = arith.index_cast %swap3A_724 : i32 to index
        %swap3A_727 = arith.index_cast %mul3A_684 : i32 to index
        %swap3A_728 = tpu.vector_load %arg6[%swap3A_725, %swap3A_726, %swap3A_727] {strides = array<i32>} : memref<2x8x2048xf32, #tpu.memory_space<vmem>>, vector<1x1x16xf32>,
        %swap3A_729 = vector.shape_cast %swap3A_728 : vector<1x1x16xf32> to vector<16xf32>
        %swap3A_730 = vector.shape_cast %mul3A_722 : vector<16xf32> to vector<1x1x16xf32>
        tpu.vector_store %arg6[%swap3A_725, %swap3A_726, %swap3A_727], %swap3A_730 {strides = array<i32>} : memref<2x8x2048xf32, #tpu.memory_space<vmem>>, vector<1x1x16xf32>,
        %get3A_731 = arith.constant 1 : i32
        %get3A_732 = arith.constant 3 : i32
        %get3A_733 = arith.index_cast %get3A_731 : i32 to index
        %get3A_734 = arith.index_cast %get3A_732 : i32 to index
        %get3A_735 = arith.index_cast %mul3A_684 : i32 to index
        %get3A_736 = tpu.vector_load %arg5[%get3A_733, %get3A_734, %get3A_735] {strides = array<i32>} : memref<2x8x2048xf32, #tpu.memory_space<vmem>>, vector<1x1x16xf32>,
        %get3A_737 = vector.shape_cast %get3A_736 : vector<1x1x16xf32> to vector<16xf32>
        %mul3A_738 = arith.mulf %get3A_737, %div3A_538 : vector<16xf32>
        %swap3A_739 = arith.constant 1 : i32
        %swap3A_740 = arith.constant 3 : i32
        %swap3A_741 = arith.index_cast %swap3A_739 : i32 to index
        %swap3A_742 = arith.index_cast %swap3A_740 : i32 to index
        %swap3A_743 = arith.index_cast %mul3A_684 : i32 to index
        %swap3A_744 = tpu.vector_load %arg6[%swap3A_741, %swap3A_742, %swap3A_743] {strides = array<i32>} : memref<2x8x2048xf32, #tpu.memory_space<vmem>>, vector<1x1x16xf32>,
        %swap3A_745 = vector.shape_cast %swap3A_744 : vector<1x1x16xf32> to vector<16xf32>
        %swap3A_746 = vector.shape_cast %mul3A_738 : vector<16xf32> to vector<1x1x16xf32>
        tpu.vector_store %arg6[%swap3A_741, %swap3A_742, %swap3A_743], %swap3A_746 {strides = array<i32>} : memref<2x8x2048xf32, #tpu.memory_space<vmem>>, vector<1x1x16xf32>,
        %get3A_747 = arith.constant 1 : i32
        %get3A_748 = arith.constant 4 : i32
        %get3A_749 = arith.index_cast %get3A_747 : i32 to index
        %get3A_750 = arith.index_cast %get3A_748 : i32 to index
        %get3A_751 = arith.index_cast %mul3A_684 : i32 to index
        %get3A_752 = tpu.vector_load %arg5[%get3A_749, %get3A_750, %get3A_751] {strides = array<i32>} : memref<2x8x2048xf32, #tpu.memory_space<vmem>>, vector<1x1x16xf32>,
        %get3A_753 = vector.shape_cast %get3A_752 : vector<1x1x16xf32> to vector<16xf32>
        %mul3A_754 = arith.mulf %get3A_753, %div3A_565 : vector<16xf32>
        %swap3A_755 = arith.constant 1 : i32
        %swap3A_756 = arith.constant 4 : i32
        %swap3A_757 = arith.index_cast %swap3A_755 : i32 to index
        %swap3A_758 = arith.index_cast %swap3A_756 : i32 to index
        %swap3A_759 = arith.index_cast %mul3A_684 : i32 to index
        %swap3A_760 = tpu.vector_load %arg6[%swap3A_757, %swap3A_758, %swap3A_759] {strides = array<i32>} : memref<2x8x2048xf32, #tpu.memory_space<vmem>>, vector<1x1x16xf32>,
        %swap3A_761 = vector.shape_cast %swap3A_760 : vector<1x1x16xf32> to vector<16xf32>
        %swap3A_762 = vector.shape_cast %mul3A_754 : vector<16xf32> to vector<1x1x16xf32>
        tpu.vector_store %arg6[%swap3A_757, %swap3A_758, %swap3A_759], %swap3A_762 {strides = array<i32>} : memref<2x8x2048xf32, #tpu.memory_space<vmem>>, vector<1x1x16xf32>,
        %get3A_763 = arith.constant 1 : i32
        %get3A_764 = arith.constant 5 : i32
        %get3A_765 = arith.index_cast %get3A_763 : i32 to index
        %get3A_766 = arith.index_cast %get3A_764 : i32 to index
        %get3A_767 = arith.index_cast %mul3A_684 : i32 to index
        %get3A_768 = tpu.vector_load %arg5[%get3A_765, %get3A_766, %get3A_767] {strides = array<i32>} : memref<2x8x2048xf32, #tpu.memory_space<vmem>>, vector<1x1x16xf32>,
        %get3A_769 = vector.shape_cast %get3A_768 : vector<1x1x16xf32> to vector<16xf32>
        %mul3A_770 = arith.mulf %get3A_769, %div3A_592 : vector<16xf32>
        %swap3A_771 = arith.constant 1 : i32
        %swap3A_772 = arith.constant 5 : i32
        %swap3A_773 = arith.index_cast %swap3A_771 : i32 to index
        %swap3A_774 = arith.index_cast %swap3A_772 : i32 to index
        %swap3A_775 = arith.index_cast %mul3A_684 : i32 to index
        %swap3A_776 = tpu.vector_load %arg6[%swap3A_773, %swap3A_774, %swap3A_775] {strides = array<i32>} : memref<2x8x2048xf32, #tpu.memory_space<vmem>>, vector<1x1x16xf32>,
        %swap3A_777 = vector.shape_cast %swap3A_776 : vector<1x1x16xf32> to vector<16xf32>
        %swap3A_778 = vector.shape_cast %mul3A_770 : vector<16xf32> to vector<1x1x16xf32>
        tpu.vector_store %arg6[%swap3A_773, %swap3A_774, %swap3A_775], %swap3A_778 {strides = array<i32>} : memref<2x8x2048xf32, #tpu.memory_space<vmem>>, vector<1x1x16xf32>,
        %get3A_779 = arith.constant 1 : i32
        %get3A_780 = arith.constant 6 : i32
        %get3A_781 = arith.index_cast %get3A_779 : i32 to index
        %get3A_782 = arith.index_cast %get3A_780 : i32 to index
        %get3A_783 = arith.index_cast %mul3A_684 : i32 to index
        %get3A_784 = tpu.vector_load %arg5[%get3A_781, %get3A_782, %get3A_783] {strides = array<i32>} : memref<2x8x2048xf32, #tpu.memory_space<vmem>>, vector<1x1x16xf32>,
        %get3A_785 = vector.shape_cast %get3A_784 : vector<1x1x16xf32> to vector<16xf32>
        %mul3A_786 = arith.mulf %get3A_785, %div3A_619 : vector<16xf32>
        %swap3A_787 = arith.constant 1 : i32
        %swap3A_788 = arith.constant 6 : i32
        %swap3A_789 = arith.index_cast %swap3A_787 : i32 to index
        %swap3A_790 = arith.index_cast %swap3A_788 : i32 to index
        %swap3A_791 = arith.index_cast %mul3A_684 : i32 to index
        %swap3A_792 = tpu.vector_load %arg6[%swap3A_789, %swap3A_790, %swap3A_791] {strides = array<i32>} : memref<2x8x2048xf32, #tpu.memory_space<vmem>>, vector<1x1x16xf32>,
        %swap3A_793 = vector.shape_cast %swap3A_792 : vector<1x1x16xf32> to vector<16xf32>
        %swap3A_794 = vector.shape_cast %mul3A_786 : vector<16xf32> to vector<1x1x16xf32>
        tpu.vector_store %arg6[%swap3A_789, %swap3A_790, %swap3A_791], %swap3A_794 {strides = array<i32>} : memref<2x8x2048xf32, #tpu.memory_space<vmem>>, vector<1x1x16xf32>,
        %get3A_795 = arith.constant 1 : i32
        %get3A_796 = arith.constant 7 : i32
        %get3A_797 = arith.index_cast %get3A_795 : i32 to index
        %get3A_798 = arith.index_cast %get3A_796 : i32 to index
        %get3A_799 = arith.index_cast %mul3A_684 : i32 to index
        %get3A_800 = tpu.vector_load %arg5[%get3A_797, %get3A_798, %get3A_799] {strides = array<i32>} : memref<2x8x2048xf32, #tpu.memory_space<vmem>>, vector<1x1x16xf32>,
        %get3A_801 = vector.shape_cast %get3A_800 : vector<1x1x16xf32> to vector<16xf32>
        %mul3A_802 = arith.mulf %get3A_801, %div3A_646 : vector<16xf32>
        %swap3A_803 = arith.constant 1 : i32
        %swap3A_804 = arith.constant 7 : i32
        %swap3A_805 = arith.index_cast %swap3A_803 : i32 to index
        %swap3A_806 = arith.index_cast %swap3A_804 : i32 to index
        %swap3A_807 = arith.index_cast %mul3A_684 : i32 to index
        %swap3A_808 = tpu.vector_load %arg6[%swap3A_805, %swap3A_806, %swap3A_807] {strides = array<i32>} : memref<2x8x2048xf32, #tpu.memory_space<vmem>>, vector<1x1x16xf32>,
        %swap3A_809 = vector.shape_cast %swap3A_808 : vector<1x1x16xf32> to vector<16xf32>
        %swap3A_810 = vector.shape_cast %mul3A_802 : vector<16xf32> to vector<1x1x16xf32>
        tpu.vector_store %arg6[%swap3A_805, %swap3A_806, %swap3A_807], %swap3A_810 {strides = array<i32>} : memref<2x8x2048xf32, #tpu.memory_space<vmem>>, vector<1x1x16xf32>,
        %scan3A_811 = arith.constant 0 : i32
        scf.yield %scan3A_811 : i32
      }
      %scan3A_653 = arith.constant 128 : i32
      %mul3A_654 = arith.constant 8 : i32
      %mul3A_655 = arith.muli %add3A_384, %mul3A_654 : i32
      %add3A_656 = arith.addi %mul3A_2, %mul3A_655 : i32
      %dma_start3A_657 = arith.constant 1 : i32
      %dma_start3A_658 = arith.constant 1 : i32
      %dma_start3A_659 = arith.constant 0 : i32
      %dma_start3A_660 = arith.constant 0 : i32
      %dma_start3A_661 = tpu.memref_slice %arg6[%dma_start3A_657, %dma_start3A_659, %dma_start3A_660] : memref<2x8x2048xf32, #tpu.memory_space<vmem>> -> memref<1x8x2048xf32, #tpu.memory_space<vmem>>
      %dma_start3A_662 = tpu.memref_squeeze %dma_start3A_661 : memref<1x8x2048xf32, #tpu.memory_space<vmem>> -> memref<8x2048xf32, #tpu.memory_space<vmem>>
      %dma_start3A_663 = arith.constant 0 : i32
      %dma_start3A_664 = tpu.memref_slice %arg4[%add3A_656, %dma_start3A_663] : memref<8192x2048xf32, #tpu.memory_space<hbm>> -> memref<8x2048xf32, #tpu.memory_space<hbm>>
      %dma_start3A_665 = tpu.memref_slice %arg9[%dma_start3A_658] : memref<2x!tpu.dma_semaphore, #tpu.memory_space<semaphore_mem>> -> memref<1x!tpu.dma_semaphore, #tpu.memory_space<semaphore_mem>>
      %dma_start3A_666 = tpu.memref_squeeze %dma_start3A_665 : memref<1x!tpu.dma_semaphore, #tpu.memory_space<semaphore_mem>> -> memref<!tpu.dma_semaphore, #tpu.memory_space<semaphore_mem>>
      %dma_start3A_667 = arith.constant 0 : i32
      %dma_start3A_668 = tpu.memref_slice %arg4[%add3A_656, %dma_start3A_667] : memref<8192x2048xf32, #tpu.memory_space<hbm>> -> memref<8x2048xf32, #tpu.memory_space<hbm>>
      %dma_start3A_669 = arith.constant 0 : i32
      %dma_start3A_670 = arith.constant 0 : i32
      %dma_start3A_671 = tpu.memref_slice %arg6[%dma_start3A_657, %dma_start3A_669, %dma_start3A_670] : memref<2x8x2048xf32, #tpu.memory_space<vmem>> -> memref<1x8x2048xf32, #tpu.memory_space<vmem>>
      %dma_start3A_672 = tpu.memref_squeeze %dma_start3A_671 : memref<1x8x2048xf32, #tpu.memory_space<vmem>> -> memref<8x2048xf32, #tpu.memory_space<vmem>>
      tpu.enqueue_dma source(%dma_start3A_672 : memref<8x2048xf32, #tpu.memory_space<vmem>>) target(%dma_start3A_668 : memref<8x2048xf32, #tpu.memory_space<hbm>>) target_semaphore(%dma_start3A_666 : memref<!tpu.dma_semaphore, #tpu.memory_space<semaphore_mem>>)
      %add3A_673 = arith.constant 2 : i32
      %add3A_674 = arith.addi %add3A_384, %add3A_673 : i32
      %lt3A_675 = arith.constant 32 : i32
      %lt3A_676 = arith.cmpi slt, %add3A_674, %lt3A_675 : i32
      %convert_element_type3A_677 = arith.extui %lt3A_676 : i1 to i32
      %cond3A_678 = arith.constant 0 : i32
      %cond3A_679 = arith.cmpi ne, %convert_element_type3A_677, %cond3A_678 : i32
      scf.if %cond3A_679 {
        %add3A_681 = arith.constant 2 : i32
        %add3A_682 = arith.addi %add3A_384, %add3A_681 : i32
        %mul3A_683 = arith.constant 8 : i32
        %mul3A_684 = arith.muli %add3A_682, %mul3A_683 : i32
        %add3A_685 = arith.addi %mul3A_2, %mul3A_684 : i32
        %dma_start3A_686 = arith.constant 1 : i32
        %dma_start3A_687 = arith.constant 1 : i32
        %dma_start3A_688 = arith.constant 0 : i32
        %dma_start3A_689 = arith.constant 0 : i32
        %dma_start3A_690 = tpu.memref_slice %arg5[%dma_start3A_686, %dma_start3A_688, %dma_start3A_689] : memref<2x8x2048xf32, #tpu.memory_space<vmem>> -> memref<1x8x2048xf32, #tpu.memory_space<vmem>>
        %dma_start3A_691 = tpu.memref_squeeze %dma_start3A_690 : memref<1x8x2048xf32, #tpu.memory_space<vmem>> -> memref<8x2048xf32, #tpu.memory_space<vmem>>
        %dma_start3A_692 = arith.constant 0 : i32
        %dma_start3A_693 = tpu.memref_slice %arg2[%add3A_685, %dma_start3A_692] : memref<8192x2048xf32, #tpu.memory_space<hbm>> -> memref<8x2048xf32, #tpu.memory_space<hbm>>
        %dma_start3A_694 = tpu.memref_slice %arg8[%dma_start3A_687] : memref<2x!tpu.dma_semaphore, #tpu.memory_space<semaphore_mem>> -> memref<1x!tpu.dma_semaphore, #tpu.memory_space<semaphore_mem>>
        %dma_start3A_695 = tpu.memref_squeeze %dma_start3A_694 : memref<1x!tpu.dma_semaphore, #tpu.memory_space<semaphore_mem>> -> memref<!tpu.dma_semaphore, #tpu.memory_space<semaphore_mem>>
        %dma_start3A_696 = arith.constant 0 : i32
        %dma_start3A_697 = arith.constant 0 : i32
        %dma_start3A_698 = tpu.memref_slice %arg5[%dma_start3A_686, %dma_start3A_696, %dma_start3A_697] : memref<2x8x2048xf32, #tpu.memory_space<vmem>> -> memref<1x8x2048xf32, #tpu.memory_space<vmem>>
        %dma_start3A_699 = tpu.memref_squeeze %dma_start3A_698 : memref<1x8x2048xf32, #tpu.memory_space<vmem>> -> memref<8x2048xf32, #tpu.memory_space<vmem>>
        %dma_start3A_700 = arith.constant 0 : i32
        %dma_start3A_701 = tpu.memref_slice %arg2[%add3A_685, %dma_start3A_700] : memref<8192x2048xf32, #tpu.memory_space<hbm>> -> memref<8x2048xf32, #tpu.memory_space<hbm>>
        tpu.enqueue_dma source(%dma_start3A_701 : memref<8x2048xf32, #tpu.memory_space<hbm>>) target(%dma_start3A_699 : memref<8x2048xf32, #tpu.memory_space<vmem>>) target_semaphore(%dma_start3A_695 : memref<!tpu.dma_semaphore, #tpu.memory_space<semaphore_mem>>)
      } else {
      }
      %scan3A_680 = arith.constant 0 : i32
      scf.yield %scan3A_680 : i32
    }
    %scan3A_54 = arith.constant 16 : i32
    %add3A_55 = arith.constant 0 : i32
    %add3A_56 = arith.addi %mul3A_2, %add3A_55 : i32
    %dma_wait3A = arith.constant 0 : i32
    %dma_wait3A_57 = arith.constant 0 : i32
    %dma_wait3A_58 = arith.constant 0 : i32
    %dma_wait3A_59 = arith.constant 0 : i32
    %dma_wait3A_60 = tpu.memref_slice %arg6[%dma_wait3A, %dma_wait3A_58, %dma_wait3A_59] : memref<2x8x2048xf32, #tpu.memory_space<vmem>> -> memref<1x8x2048xf32, #tpu.memory_space<vmem>>
    %dma_wait3A_61 = tpu.memref_squeeze %dma_wait3A_60 : memref<1x8x2048xf32, #tpu.memory_space<vmem>> -> memref<8x2048xf32, #tpu.memory_space<vmem>>
    %dma_wait3A_62 = arith.constant 0 : i32
    %dma_wait3A_63 = tpu.memref_slice %arg4[%add3A_56, %dma_wait3A_62] : memref<8192x2048xf32, #tpu.memory_space<hbm>> -> memref<8x2048xf32, #tpu.memory_space<hbm>>
    %dma_wait3A_64 = tpu.memref_slice %arg9[%dma_wait3A_57] : memref<2x!tpu.dma_semaphore, #tpu.memory_space<semaphore_mem>> -> memref<1x!tpu.dma_semaphore, #tpu.memory_space<semaphore_mem>>
    %dma_wait3A_65 = tpu.memref_squeeze %dma_wait3A_64 : memref<1x!tpu.dma_semaphore, #tpu.memory_space<semaphore_mem>> -> memref<!tpu.dma_semaphore, #tpu.memory_space<semaphore_mem>>
    %dma_wait3A_66 = arith.constant 0 : i32
    %dma_wait3A_67 = tpu.memref_slice %arg4[%add3A_56, %dma_wait3A_66] : memref<8192x2048xf32, #tpu.memory_space<hbm>> -> memref<8x2048xf32, #tpu.memory_space<hbm>>
    %dma_wait3A_68 = arith.constant 0 : i32
    %dma_wait3A_69 = arith.constant 0 : i32
    %dma_wait3A_70 = tpu.memref_slice %arg6[%dma_wait3A, %dma_wait3A_68, %dma_wait3A_69] : memref<2x8x2048xf32, #tpu.memory_space<vmem>> -> memref<1x8x2048xf32, #tpu.memory_space<vmem>>
    %dma_wait3A_71 = tpu.memref_squeeze %dma_wait3A_70 : memref<1x8x2048xf32, #tpu.memory_space<vmem>> -> memref<8x2048xf32, #tpu.memory_space<vmem>>
    tpu.wait_dma2 semaphore(%dma_wait3A_65 : memref<!tpu.dma_semaphore, #tpu.memory_space<semaphore_mem>>) src(%dma_wait3A_71 : memref<8x2048xf32, #tpu.memory_space<vmem>>) dst(%dma_wait3A_67 : memref<8x2048xf32, #tpu.memory_space<hbm>>)
    %add3A_72 = arith.constant 0 : i32
    %add3A_73 = arith.addi %mul3A_2, %add3A_72 : i32
    %dma_wait3A_74 = arith.constant 1 : i32
    %dma_wait3A_75 = arith.constant 1 : i32
    %dma_wait3A_76 = arith.constant 0 : i32
    %dma_wait3A_77 = arith.constant 0 : i32
    %dma_wait3A_78 = tpu.memref_slice %arg6[%dma_wait3A_74, %dma_wait3A_76, %dma_wait3A_77] : memref<2x8x2048xf32, #tpu.memory_space<vmem>> -> memref<1x8x2048xf32, #tpu.memory_space<vmem>>
    %dma_wait3A_79 = tpu.memref_squeeze %dma_wait3A_78 : memref<1x8x2048xf32, #tpu.memory_space<vmem>> -> memref<8x2048xf32, #tpu.memory_space<vmem>>
    %dma_wait3A_80 = arith.constant 0 : i32
    %dma_wait3A_81 = tpu.memref_slice %arg4[%add3A_73, %dma_wait3A_80] : memref<8192x2048xf32, #tpu.memory_space<hbm>> -> memref<8x2048xf32, #tpu.memory_space<hbm>>
    %dma_wait3A_82 = tpu.memref_slice %arg9[%dma_wait3A_75] : memref<2x!tpu.dma_semaphore, #tpu.memory_space<semaphore_mem>> -> memref<1x!tpu.dma_semaphore, #tpu.memory_space<semaphore_mem>>
    %dma_wait3A_83 = tpu.memref_squeeze %dma_wait3A_82 : memref<1x!tpu.dma_semaphore, #tpu.memory_space<semaphore_mem>> -> memref<!tpu.dma_semaphore, #tpu.memory_space<semaphore_mem>>
    %dma_wait3A_84 = arith.constant 0 : i32
    %dma_wait3A_85 = tpu.memref_slice %arg4[%add3A_73, %dma_wait3A_84] : memref<8192x2048xf32, #tpu.memory_space<hbm>> -> memref<8x2048xf32, #tpu.memory_space<hbm>>
    %dma_wait3A_86 = arith.constant 0 : i32
    %dma_wait3A_87 = arith.constant 0 : i32
    %dma_wait3A_88 = tpu.memref_slice %arg6[%dma_wait3A_74, %dma_wait3A_86, %dma_wait3A_87] : memref<2x8x2048xf32, #tpu.memory_space<vmem>> -> memref<1x8x2048xf32, #tpu.memory_space<vmem>>
    %dma_wait3A_89 = tpu.memref_squeeze %dma_wait3A_88 : memref<1x8x2048xf32, #tpu.memory_space<vmem>> -> memref<8x2048xf32, #tpu.memory_space<vmem>>
    tpu.wait_dma2 semaphore(%dma_wait3A_83 : memref<!tpu.dma_semaphore, #tpu.memory_space<semaphore_mem>>) src(%dma_wait3A_89 : memref<8x2048xf32, #tpu.memory_space<vmem>>) dst(%dma_wait3A_85 : memref<8x2048xf32, #tpu.memory_space<hbm>>)
    return
  }
}

module attributes {stable_mosaic.version = 14 : i64} {
  func.func @_expert_tile(%arg0: i32, %arg1: memref<512x2048xf32, #tpu.memory_space<vmem>>, %arg2: memref<2048x2xf32, #tpu.memory_space<vmem>>, %arg3: memref<512x2048xf32, #tpu.memory_space<vmem>>, %arg4: memref<512x2048xf32, #tpu.memory_space<vmem>>) attributes {dimension_semantics = [#tpu.dimension_semantics<arbitrary>], iteration_bounds = array<i64: 16>, scalar_prefetch = 0 : i64, scratch_operands = 0 : i64, tpu.core_type = #tpu.core_type<tc>, window_params = [{transform_indices = @transform_0, window_bounds = array<i64: 512, 2048>}, {pipeline_mode = #tpu.pipeline_mode<synchronous>, transform_indices = @transform_1, window_bounds = array<i64: 2048, 2>}, {transform_indices = @transform_2, window_bounds = array<i64: 512, 2048>}, {transform_indices = @transform_3, window_bounds = array<i64: 512, 2048>}]} {
    %get3A = arith.constant 0 : index
    %get3A_0 = arith.constant 0 : index
    %get3A_1 = vector.load %arg1[%get3A, %get3A_0] : memref<512x2048xf32, #tpu.memory_space<vmem>>, vector<512x2048xf32>
    %get3A_2 = arith.constant 0 : index
    %get3A_3 = arith.constant 0 : index
    %get3A_4 = vector.load %arg2[%get3A_2, %get3A_3] : memref<2048x2xf32, #tpu.memory_space<vmem>>, vector<2048x2xf32>
    %dot_general3A = arith.constant dense<0.000000e+00> : vector<512x2xf32>
    %dot_general3A_5 = tpu.matmul %get3A_1, %get3A_4, %dot_general3A {dimension_numbers = #tpu.dot_dimension_numbers<[1], [0], [0], [1], [0, 0, 1, 1], [], []>, transpose_lhs_hint = false} : vector<512x2048xf32>, vector<2048x2xf32>, vector<512x2xf32> -> vector<512x2xf32>
    %slice3A = vector.extract_strided_slice %dot_general3A_5 {offsets = [0, 1], sizes = [512, 1], strides = [1, 1]} : vector<512x2xf32> to vector<512x1xf32>
    %slice3A_6 = vector.extract_strided_slice %dot_general3A_5 {offsets = [0, 0], sizes = [512, 1], strides = [1, 1]} : vector<512x2xf32> to vector<512x1xf32>
    %sub3A = arith.subf %slice3A, %slice3A_6 : vector<512x1xf32>
    %logistic3A = arith.negf %sub3A : vector<512x1xf32>
    %logistic3A_7 = math.exp %logistic3A : vector<512x1xf32>
    %logistic3A_8 = arith.constant 1.000000e+00 : f32
    %logistic3A_9 = vector.broadcast %logistic3A_8 : f32 to vector<512x1xf32>
    %logistic3A_10 = arith.addf %logistic3A_9, %logistic3A_7 : vector<512x1xf32>
    %logistic3A_11 = arith.divf %logistic3A_9, %logistic3A_10 : vector<512x1xf32>
    %sub3A_12 = arith.constant 1.000000e+00 : f32
    %sub3A_13 = vector.broadcast %sub3A_12 : f32 to vector<512x1xf32>
    %sub3A_14 = arith.subf %sub3A_13, %logistic3A_11 : vector<512x1xf32>
    %gt3A = arith.constant 0.000000e+00 : f32
    %gt3A_15 = vector.broadcast %gt3A : f32 to vector<512x1xf32>
    %gt3A_16 = arith.cmpf ogt, %sub3A, %gt3A_15 : vector<512x1xf32>
    %jit3A = arith.constant 0.000000e+00 : f32
    %broadcast_in_dim3A = vector.broadcast %jit3A : f32 to vector<512x1xf32>
    %select_n3A = arith.select %gt3A_16, %broadcast_in_dim3A, %sub3A_14 : vector<512x1xi1>, vector<512x1xf32>
    %mul3A = vector.broadcast %select_n3A : vector<512x1xf32> to vector<512x2048xf32>
    %mul3A_17 = arith.mulf %get3A_1, %mul3A : vector<512x2048xf32>
    %swap3A = arith.constant 0 : index
    %swap3A_18 = arith.constant 0 : index
    %swap3A_19 = vector.load %arg3[%swap3A, %swap3A_18] : memref<512x2048xf32, #tpu.memory_space<vmem>>, vector<512x2048xf32>
    tpu.vector_store %arg3[%swap3A, %swap3A_18], %mul3A_17 {strides = array<i32>} : memref<512x2048xf32, #tpu.memory_space<vmem>>, vector<512x2048xf32>,
    %jit3A_20 = arith.constant 0.000000e+00 : f32
    %broadcast_in_dim3A_21 = vector.broadcast %jit3A_20 : f32 to vector<512x1xf32>
    %select_n3A_22 = arith.select %gt3A_16, %logistic3A_11, %broadcast_in_dim3A_21 : vector<512x1xi1>, vector<512x1xf32>
    %mul3A_23 = vector.broadcast %select_n3A_22 : vector<512x1xf32> to vector<512x2048xf32>
    %mul3A_24 = arith.mulf %get3A_1, %mul3A_23 : vector<512x2048xf32>
    %swap3A_25 = arith.constant 0 : index
    %swap3A_26 = arith.constant 0 : index
    %swap3A_27 = vector.load %arg4[%swap3A_25, %swap3A_26] : memref<512x2048xf32, #tpu.memory_space<vmem>>, vector<512x2048xf32>
    tpu.vector_store %arg4[%swap3A_25, %swap3A_26], %mul3A_24 {strides = array<i32>} : memref<512x2048xf32, #tpu.memory_space<vmem>>, vector<512x2048xf32>,
    return
  }
  func.func @transform_0(%arg0: i32) -> (i32, i32) {
    %c0_i32 = arith.constant 0 : i32
    %c0_i32_0 = arith.constant 0 : i32
    return %arg0, %c0_i32 : i32, i32
  }
  func.func @transform_1(%arg0: i32) -> (i32, i32) {
    %c0_i32 = arith.constant 0 : i32
    %c0_i32_0 = arith.constant 0 : i32
    %c0_i32_1 = arith.constant 0 : i32
    return %c0_i32, %c0_i32_0 : i32, i32
  }
  func.func @transform_2(%arg0: i32) -> (i32, i32) {
    %c0_i32 = arith.constant 0 : i32
    %c0_i32_0 = arith.constant 0 : i32
    return %arg0, %c0_i32 : i32, i32
  }
  func.func @transform_3(%arg0: i32) -> (i32, i32) {
    %c0_i32 = arith.constant 0 : i32
    %c0_i32_0 = arith.constant 0 : i32
    return %arg0, %c0_i32 : i32, i32
  }
}

</mosaic_0001>

<sc_bundles>
// kernel: kernel.4.cloned.1.call-start
scs
__scs_entry_jumppad:
0x0: {  	(pc) =	sbr.rel $0x88, $3  }
0x1: {  	(tag) =	ssettag $0x0;
	lr =	simm.s32 $0x1  }
0x2: {  	[smem:$0x3F9F] =	sst lr;
	_ =	strace $0xD0000000  }
0x3: {  	_ = 	snop  }
0x4: {  	_ = 	snop  }
0x5: {  	_ = 	snop  }
0x6: {  	_ = 	snop  }
0x7: {  	_ = 	snop  }
__scs_overlays_trampoline_lowered:
0x8: {  	[smem:$0x3FAE] =	sst s0  }
0x9: {  	[smem:$0x3FAF] =	sst s1  }
0xa: {  	[smem:$0x3FB0] =	sst s2  }
0xb: {  	[smem:$0x3FB1] =	sst s3  }
0xc: {  	[smem:$0x3FB2] =	sst s4  }
0xd: {  	[smem:$0x3FB3] =	sst s5  }
0xe: {  	[smem:$0x3FB4] =	sst s6  }
0xf: {  	[smem:$0x3FB5] =	sst s7  }
0x10: {  	[smem:$0x3FB6] =	sst s8  }
0x11: {  	[smem:$0x3FB7] =	sst s9;
	s0 =	simm.s32 @!p0 $0x0  }
0x12: {  	s1 =	sld [smem:$0x3F9D];
	s0 =	simm.s32 @p0 $0x1  }
0x13: {  	[smem:$0x3FB8] =	sst s0;
	s0 =	simm.s32 @!p1 $0x0  }
0x14: {  	s2 =	sld [smem:$0x3F9C];
	s0 =	simm.s32 @p1 $0x1  }
0x15: {  	[smem:$0x3FB9] =	sst s0;
	s0 =	simm.s32 @!p2 $0x0  }
0x16: {  	s3 =	sld [smem:$0x3FDB];
	s0 =	simm.s32 @p2 $0x1  }
0x17: {  	s4 =	simm.s32 $0x1BF5;
	[smem:$0x3FBB] =	sst s0  }
0x18: {  	s0 =	sld [smem:$0x3F9E];
	_ =	swait.ge [sflag:s4], $0x0  }
0x19: {  	s7 =	sld [smem:$0x3F9F]  }
0x1a: {  	s8 =	sadd.s32 $0xFFFFE003, lr  }
0x1b: {  	s9 =	sadd.s32 $0xFFFFFEF7, lr;
	s5 =	simm.s32 $0xFFFFFFFF;
	p2 =	slt.u32 s8, $0xFFFFF086  }
0x1c: {  	p1 =	slt.u32 s9, $0xF7A;
	s5 =	simm.s32 @!p2 $0x0  }
0x1d: {  	s5 =	simm.s32 @p1 $0x1;
	p0 =	seq.s32 s7, s2  }
0x1e: {  	s7 =	smul.u32 @!p0 $0xF7A, s2;
	p2 =	seq.s32 @!p0 s5, $0x0  }
0x1f: {  	s9 =	smul.u32 $0xF7A, s1;
	s8 =	simm.s32 @!p0 $0x1BF5;
	p2 =	por !p2, p0  }
0x20: {  	[sflag:s8] =	ssyncset.s32 @!p0 $0xFFFFF086;
	s6 =	sadd.s32 @!p0 s3, s7;
	s7 =	simm.s32 @!p0 $0x108  }
0x21: {  	s3 =	sadd.s32 s3, s9;
	s6 =	sadd.s32 @!p0 $0x88, s6;
	s7 =	simm.s32 @p2 $0x1082  }
0x22: {  	[simem:s7], [sflag:s8] =	dma.local @!p0 [hbm:s6], $0xF7A  }
0x23: {  	s9 =	sor.u32 $0xD0000000, s2;
	s6 =	simm.s32 $0x108;
	_ =	swait.ge @!p0 [sflag:s8], $0x0  }
0x24: {  	s3 =	sadd.s32 $0x88, s3;
	s6 =	simm.s32 @!p1 $0x1082;
	[sflag:s4] =	ssyncset.s32 $0xFFFFF086  }
0x25: {  	[simem:s6], [sflag:s4] =	dma.local [hbm:s3], $0xF7A  }
0x26: {  	[smem:$0x3F9F] =	sst s1;
	(tag) =	ssettag s2;
	_ =	strace s9  }
0x27: {  	s1 =	sld [smem:$0x3FAF]  }
0x28: {  	s2 =	sld [smem:$0x3FB0]  }
0x29: {  	s4 =	sld [smem:$0x3FB2]  }
0x2a: {  	p0 =	seq.s32 s5, $0x0;
	s5 =	sld [smem:$0x3FB3]  }
0x2b: {  	s6 =	sld [smem:$0x3FB4]  }
0x2c: {  	s7 =	sld [smem:$0x3FB5]  }
0x2d: {  	s3 =	simm.s32 $0x108;
	s8 =	sld [smem:$0x3FB6]  }
0x2e: {  	s3 =	simm.s32 @!p0 $0x1082;
	s9 =	sld [smem:$0x3FB7]  }
0x2f: {  	lr =	sadd.s32 s0, s3;
	s0 =	sld [smem:$0x3FAE]  }
0x30: {  	s3 =	sld [smem:$0x3FB1]  }
0x31: {  	[smem:$0x3FBA] =	sst s10  }
0x32: {  	s10 =	sld [smem:$0x3FB8];
	_ =	sdelay $0x3  }
0x33: {  	p0 =	seq.s32 s10, $0x1;
	s10 =	sld [smem:$0x3FBA];
	_ =	sdelay $0x3  }
0x34: {  	[smem:$0x3FBA] =	sst s10  }
0x35: {  	s10 =	sld [smem:$0x3FB9];
	_ =	sdelay $0x3  }
0x36: {  	p1 =	seq.s32 s10, $0x1;
	s10 =	sld [smem:$0x3FBA];
	_ =	sdelay $0x3  }
0x37: {  	[smem:$0x3FBA] =	sst s10  }
0x38: {  	s10 =	sld [smem:$0x3FBB]  }
0x39: {  	_ = 	snop;
	(pc) =	sbr.ind lr, $3  }
0x3a: {  	_ = 	snop  }
0x3b: {  	_ = 	snop  }
0x3c: {  	p2 =	seq.s32 s10, $0x1;
	s10 =	sld [smem:$0x3FBA]  }
0x3d: {  	_ =	shalt  }
0x3e: {  	_ =	shalt  }
0x3f: {  	_ =	shalt  }
0x40: {  	_ =	shalt  }
0x41: {  	_ =	shalt  }
0x42: {  	_ =	shalt  }
0x43: {  	_ =	shalt  }
0x44: {  	_ =	shalt  }
0x45: {  	_ =	shalt  }
0x46: {  	_ =	shalt  }
0x47: {  	_ =	shalt  }
0x48: {  	_ =	shalt  }
0x49: {  	_ =	shalt  }
0x4a: {  	_ =	shalt  }
0x4b: {  	_ =	shalt  }
0x4c: {  	_ =	shalt  }
0x4d: {  	_ =	shalt  }
0x4e: {  	_ =	shalt  }
0x4f: {  	_ =	shalt  }
0x50: {  	_ =	shalt  }
0x51: {  	_ =	shalt  }
0x52: {  	_ =	shalt  }
0x53: {  	_ =	shalt  }
0x54: {  	_ =	shalt  }
0x55: {  	_ =	shalt  }
0x56: {  	_ =	shalt  }
0x57: {  	_ =	shalt  }
0x58: {  	_ =	shalt  }
0x59: {  	_ =	shalt  }
0x5a: {  	_ =	shalt  }
0x5b: {  	_ =	shalt  }
0x5c: {  	_ =	shalt  }
0x5d: {  	_ =	shalt  }
0x5e: {  	_ =	shalt  }
0x5f: {  	_ =	shalt  }
0x60: {  	_ =	shalt  }
0x61: {  	_ =	shalt  }
0x62: {  	_ =	shalt  }
0x63: {  	_ =	shalt  }
0x64: {  	_ =	shalt  }
0x65: {  	_ =	shalt  }
0x66: {  	_ =	shalt  }
0x67: {  	_ =	shalt  }
0x68: {  	_ =	shalt  }
0x69: {  	_ =	shalt  }
0x6a: {  	_ =	shalt  }
0x6b: {  	_ =	shalt  }
0x6c: {  	_ =	shalt  }
0x6d: {  	_ =	shalt  }
0x6e: {  	_ =	shalt  }
0x6f: {  	_ =	shalt  }
0x70: {  	_ =	shalt  }
0x71: {  	_ =	shalt  }
0x72: {  	_ =	shalt  }
0x73: {  	_ =	shalt  }
0x74: {  	_ =	shalt  }
0x75: {  	_ =	shalt  }
0x76: {  	_ =	shalt  }
0x77: {  	_ =	shalt  }
0x78: {  	_ =	shalt  }
0x79: {  	_ =	shalt  }
0x7a: {  	_ =	shalt  }
0x7b: {  	_ =	shalt  }
0x7c: {  	_ =	shalt  }
0x7d: {  	_ =	shalt  }
0x7e: {  	_ =	shalt  }
0x7f: {  	_ =	shalt  }
0x80: {  	_ =	shalt  }
0x81: {  	_ =	shalt  }
0x82: {  	_ =	shalt  }
0x83: {  	_ =	shalt  }
0x84: {  	_ =	shalt  }
0x85: {  	_ =	shalt  }
0x86: {  	_ =	shalt  }
0x87: {  	_ =	shalt  }
.Lfunc_end0:
.L_simem_size_0:
called_computation_lowered:
.L_overlay_start_0:
0x88: {  	s2 =	sld [smem:$0x3FD9]  }
0x89: {  	s3 =	sld [smem:$0x3FFE];
	_ =	sdelay $0x1  }
0x8a: {  	s1 =	srdreg.scid  }
0x8b: {  	s0 =	sand.u32 $0x1, s1  }
0x8c: {  	s14 =	sshll.u32 s0, $0xA;
	s2 =	sadd.s32 s3, s2  }
0x8d: {  	s2 =	sadd.s32 s2, s14  }
0x8e: {  	[smem:$0x3FC6] =	sst s2  }
0x8f: {  	_ = 	snop  }
0x90: {  	s2 =	sld [smem:$0x3FD0];
	_ =	sdelay $0x2  }
0x91: {  	s4 =	simm.s32 $0xA;
	s5 =	simm.s32 $0x10;
	s15 =	sld [smem:$0x3FC9]  }
0x92: {  	[smem:s5], [sflag:s4] =	dma.local [hbm:s2], $0x1  }
0x93: {  	_ =	swait.eq [sflag:s4], $0x1  }
0x94: {  	[sflag:s4] =	ssyncset.done $0x0  }
0x95: {  	[sflag:s4] =	ssyncadd.s32 $0xFFFFFFFF  }
0x96: {  	s16 =	sld [smem:$0x12];
	(tm) =	ssettm $0x1  }
0x97: {  	s17 =	sld [smem:$0x3FFB];
	_ =	sdelay $0x3  }
0x98: {  	_ =	strace s17  }
0x99: {  	s4 =	sld [smem:$0x3FFC];
	_ =	sdelay $0x3  }
0x9a: {  	_ =	strace s4  }
0x9b: {  	s4 =	sld [smem:$0x3FFD];
	_ =	sdelay $0x3  }
0x9c: {  	_ =	strace s4  }
0x9d: {  	_ =	strace $0x8FFFFFFF  }
0x9e: {  	s18 =	sld [smem:$0x3FDB];
	_ =	sdelay $0x1  }
0x9f: {  	s19 =	simm.s32 $_scs_section_size  }
0xa0: {  	s6 =	simm.s32 $_size__tile_overlayer_lowered;
	s7 =	simm.s32 $_tile_overlayer_lowered  }
0xa1: {  	s22 =	simm.s32 $0x1BFF;
	s21 =	sshll.u32 s7, $0x1;
	s4 =	sadd.s32 s19, s18  }
0xa2: {  	s8 =	simm.s32 $0x0;
	s20 =	sshll.u32 s6, $0x1;
	s6 =	sadd.s32 s21, s4  }
0xa3: {  	[timem:s8], [sflag:s22] =	dma.local [hbm:s6], s20  }
0xa4: {  	_ =	swait.ge [sflag:s22], s20  }
0xa5: {  	s5 =	ssub.s32 $0x0, s20;
	[sflag:s22] =	ssyncset.done $0x0  }
0xa6: {  	[sflag:s22] =	ssyncadd.s32 s5;
	_ =	sdelay $0x1  }
0xa7: {  	s23 =	simm.s32 $0x1B8B  }
0xa8: {  	_ =	swait.ge [sflag:s23], $0x1  }
0xa9: {  	[sflag:s23] =	ssyncset.done $0x0  }
0xaa: {  	s25 =	simm.s32 $0x1B8E;
	s24 =	sld [smem:$0x3FFE];
	[sflag:s23] =	ssyncadd.s32 $0xFFFFFFFF  }
0xab: {  	s26 =	simm.s32 $execute0_lowered;
	[smem:$0x3FD2] =	sst s25  }
0xac: {  	s6 =	sshll.u32 s26, $0x1;
	_ =	strace $0x80000046;
	[dreg:$0x1] =	wrdreg $0xFFFFFFFF  }
0xad: {  	s28 =	simm.s32 $_size_execute0_lowered;
	s4 =	sadd.s32 s4, s6;
	[dreg:$0x0] =	wrdreg $0x0  }
0xae: {  	s6 =	sshll.u32 s28, $0x1;
	[dreg:$0x2] =	wrdreg s4  }
0xaf: {  	[dreg:$0x3] =	wrdreg s6  }
0xb0: {  	[dreg:$0x4] =	wrdreg $0xC0  }
0xb1: {  	_ =	task [dreg:s8], $0x5FFFF  }
0xb2: {  	[dreg:$0x1] =	wrdreg $0xFFFFFFFF  }
0xb3: {  	[dreg:$0x0] =	wrdreg $0x60  }
0xb4: {  	[dreg:$0x2] =	wrdreg s15  }
0xb5: {  	[dreg:$0x3] =	wrdreg s24  }
0xb6: {  	[dreg:$0x4] =	wrdreg s16  }
0xb7: {  	[dreg:$0x5] =	wrdreg $0x9  }
0xb8: {  	_ =	task.clear_ibuf [dreg:s8], $0x6FFFF;
	_ =	strace $0x90000046  }
0xb9: {  	s29 =	simm.s32 $0x9;
	_ =	strace $0x80000048  }
0xba: {  	_ =	swait.ge [sflag:s29], $0x1  }
0xbb: {  	[sflag:s29] =	ssyncadd.s32 $0xFFFFFFFF  }
0xbc: {  	_ =	strace $0x90000048  }
0xbd: {  	_ =	sfence  }
0xbe: {  	s30 =	sld [smem:$0x0];
	_ =	sdelay $0x2  }
0xbf: {  	s31 =	sshll.u32 s1, $0xD;
	s1 =	sshrl.u32 s1, $0x2  }
0xc0: {  	s3 =	sand.u32 $0x4000, s31;
	s1 =	sadd.s32 s1, s30  }
0xc1: {  	s0 =	sor.u32 s3, s0;
	s1 =	sshll.u32 s1, $0x11  }
0xc2: {  	s0 =	sor.u32 s1, s0  }
0xc3: {  	s0 =	sadd.s32 $0x8F2B, s0  }
0xc4: {  	[sflag:s0] =	ssyncadd.remote.s32 $0x1  }
0xc5: {  	_ =	sfence.sel $0xFFFF  }
0xc6: {  	[dreg:$0x0] =	wrdreg $0xFFFFFFFF;
	(pc) =	sbr.abs _section_cstart, $3  }
0xc7: {  	[dreg:$0x1] =	wrdreg $0xFFFFFFFF  }
0xc8: {  	_ =	task.clear_ibuf [dreg:s8], $0x2FFFF;
	_ =	strace $0x9FFFFFFF  }
0xc9: {  	(tm) =	ssettm $0x7FFFFFFF  }
tec
execute0_lowered:
.L_overlay_start_1:
0x0: {  	(tag) =	ssettag $0x1  }
0x1: {  	s0 =	rddreg [dreg:$0x0]  }
0x2: {  	s4 =	rddreg [dreg:$0x1]  }
0x3: {  	v0 =	vimm.s32 $0xFEDCBA98;
	s7 =	rddreg [dreg:$0x2];
	v1 =	vimm.s32 $0x76543210;
	v2 =	vimm.s32 $0xBA98FEDC  }
0x4: {  	s2 =	simm.s32 $0x0;
	s3 =	srdreg.scid;
	s1 =	stileid.u32;
	v3 =	vimm.s32 $0x32107654;
	v4 =	vimm.s32 $0xDCFE98BA;
	v5 =	vimm.s32 $0x54761032  }
0x5: {  	v6 =	vimm.s32 $0xEFCDAB89;
	v7 =	vimm.s32 $0x67452301;
	s12 =	simm.s32 $0x10000;
	s13 =	simm.s32 $0x5;
	s14 =	simm.s32 $0x4000  }
0x6: {  	s15 =	simm.s32 $0x1;
	s16 =	simm.s32 $0x8000;
	s17 =	simm.s32 $0x2;
	v0 =	vunpack.c.l.s4.s8 v0;
	v1 =	vunpack.c.l.s4.s8 v1;
	v2 =	vunpack.c.l.s4.s8 v2  }
0x7: {  	s18 =	simm.s32 $0x4;
	s19 =	simm.s32 $0xC000;
	s20 =	simm.s32 $0x3;
	v3 =	vunpack.c.l.s4.s8 v3;
	v4 =	vunpack.c.l.s4.s8 v4;
	v5 =	vunpack.c.l.s4.s8 v5  }
0x8: {  	s21 =	simm.s32 $0x0;
	[smem:$0x7FF] =	sst s2;
	s5 =	sand.u32 $0x1, s3;
	v6 =	vunpack.c.l.s4.s8 v6;
	v7 =	vunpack.c.l.s4.s8 v7;
	v0 =	vunpack.c.0.s8.s32 v0  }
0x9: {  	s6 =	sshll.u32 s1, $0x9;
	s4 =	sadd.s32 $0x800, s4;
	s8 =	sshll.u32 s5, $0x8;
	v2 =	vunpack.c.0.s8.s32 v2;
	v3 =	vunpack.c.0.s8.s32 v3;
	v4 =	vunpack.c.0.s8.s32 v4  }
.Ltmp0:
0xa: {  	s31 =	ssub.s32 $0x2, s5;
	s8 =	sor.u32 s8, s6;
	v5 =	vunpack.c.0.s8.s32 v5;
	v6 =	vunpack.c.0.s8.s32 v6;
	v7 =	vunpack.c.0.s8.s32 v7;
	(pc) =	sbr.rel .LBB2_1-.Ltmp0, $4  }
0xb: {  	_ =	strace $0x80000047;
	s10 =	sshrl.u32 s31, $0x1;
	v1 =	vunpack.c.0.s8.s32 v1;
	s9 =	sshll.u32 s8, $0x8;
	v2 =	vcombine.low v3, v2  }
0xc: {  	s10 =	ssub.s32 s31, s10;
	s11 =	sshrl.u32 s8, $0x3;
	s5 =	sadd.s32 s0, s9;
	v3 =	vcombine.low v5, v4;
	v4 =	vcombine.low v7, v6;
	v0 =	vand.u32 $0xF, v0  }
0xd: {  	s7 =	sadd.s32 s7, s9;
	s8 =	sor.u32 $0x2, s11;
	s9 =	sor.u32 $0x3, s11;
	v0 =	vcombine.low v0, v1  }
0xe: {  	s10 =	smax.u32 s10, $0x1;
	s6 =	sadd.s32 $0x800, s5;
	s11 =	sadd.s32 $0x800, s7;
	v1 =	vand.u32 $0xF, v2;
	v2 =	vand.u32 $0xF, v3;
	v3 =	vand.u32 $0xF, v4  }
.LBB2_16:
0xf: {  	s21 =	sadd.s32 $0x1, s21  }
0x10: {  	_ =	swait.ge [sflag:s20], $0x4000;
	p0 =	sne.s32 s21, s10  }
.Ltmp1:
0x11: {  	[sflag:s20] =	ssyncset.done $0x0;
	(pc) =	sbr.rel @!p0 .LBB2_17-.Ltmp1, $4  }
0x12: {  	[sflag:s20] =	ssyncadd.s32 $0xFFFFC000  }
0x13: {  	_ =	swait.ge [sflag:s18], $0x4000  }
0x14: {  	[sflag:s18] =	ssyncset.done $0x0  }
0x15: {  	[sflag:s18] =	ssyncadd.s32 $0xFFFFC000  }
.LBB2_1:
0x16: {  	[tilespmem:s12], [sflag:$0x5] =	stream.linear.gather [hbm4b:s4+s2], $0x800, $0x38;
	[tilespmem:$0x10800] =	vst v63  }
0x17: {  	_ =	swait.ge [sflag:s13], $0x800  }
0x18: {  	[sflag:s13] =	ssyncset.done $0x0  }
0x19: {  	[sflag:s13] =	ssyncadd.s32 $0xFFFFF800  }
0x1a: {  	[tilespmem:s2], [sflag:$0x1] =	stream.linear.gather [hbm4b:s5+s2], $0x4000, $0x38;
	[tilespmem:$0x10800] =	vst v63  }
0x1b: {  	s22 =	simm.s32 $0x0  }
0x1c: {  	[tilespmem:s14], [sflag:$0x2] =	stream.linear.gather [hbm4b:s6+s2], $0x4000, $0x38;
	[tilespmem:$0x10800] =	vst v63  }
.LBB2_2:
0x1d: {  	_ =	swait.ge [sflag:s15], $0x4000  }
0x1e: {  	p0 =	seq.s32 s22, $0x0;
	[sflag:s15] =	ssyncset.done $0x0  }
0x1f: {  	s26 =	simm.s32 $0x0;
	s23 =	simm.s32 @!p0 $0x3;
	[sflag:s15] =	ssyncadd.s32 $0xFFFFC000  }
0x20: {  	s24 =	sand.u32 $0x7, s26;
	_ =	swait.ge @!p0 [sflag:s23], $0x4000  }
0x21: {  	s24 =	sshll.u32 s24, $0x4;
	[sflag:s23] =	ssyncset.done @!p0 $0x0  }
0x22: {  	s28 =	simm.s32 $0x10000;
	s3 =	sadd.s32 $0x0, s24;
	[sflag:s23] =	ssyncadd.s32 @!p0 $0xFFFFC000  }
0x23: {  	s25 =	sand.u32 $0x3C00, s26;
	s24 =	sand.u32 $0x70, s26;
	s23 =	sor.u32 $0x380, s3;
	v7 =	vld [tilespmem:s28+$0x0]  }
0x24: {  	s24 =	sor.u32 s24, s25;
	v4 =	vld [tilespmem:s23+$0x0]  }
0x25: {  	v19 =	vld [tilespmem:s24+$0x0]  }
0x26: {  	v18 =	vld [tilespmem:s24+$0x80]  }
0x27: {  	v5 =	vimm.f32 $0.0e+00;
	v17 =	vimm.f32 $0.0e+00;
	s30 =	simm.s32 $0x10;
	v16 =	vimm.f32 $0.0e+00;
	v15 =	vld [tilespmem:s24+$0x100]  }
0x28: {  	s29 =	simm.s32 $0x1;
	v14 =	vimm.f32 $0.0e+00;
	v6 =	vimm.f32 $0.0e+00;
	v8 =	vimm.f32 $0.0e+00;
	s31 =	sand.u32 $0x70, s30;
	v13 =	vld [tilespmem:s24+$0x180]  }
0x29: {  	v10 =	vimm.f32 $0.0e+00;
	s30 =	simm.s32 $0x20;
	s25 =	sand.u32 $0x7, s29;
	s23 =	sshll.u32 s22, $0x1;
	v12 =	vld [tilespmem:s24+$0x200];
	v9 =	vmul.f32 v4, v7;
	v4 =	vimm.f32 $0.0e+00  }
.LBB2_3:
0x2a: {  	p1 =	sne.s32 s30, $0x7F0;
	s25 =	sshll.u32 s25, $0x4;
	v11 =	vmul.f32 v19, v7;
	v20 =	vld [tilespmem:s24+$0x280];
	s26 =	sadd.s32 $0x80, s26  }
0x2b: {  	s28 =	sadd.s32 $0x10, s28;
	s25 =	sadd.s32 s25, s26;
	s3 =	sand.u32 $0x3C00, s26;
	v18 =	vmul.f32 v18, v7;
	v21 =	vld [tilespmem:s24+$0x300];
	v5 =	vadd.f32 v9, v5  }
0x2c: {  	v9 =	vld [tilespmem:s28+$0x0];
	s24 =	sor.u32 s31, s3;
	s3 =	sor.u32 $0x380, s25;
	v17 =	vadd.f32 v11, v17;
	v11 =	vmul.f32 v15, v7  }
0x2d: {  	v22 =	vld [tilespmem:s3+$0x0];
	v16 =	vadd.f32 v18, v16;
	v13 =	vmul.f32 v13, v7  }
.Ltmp2:
0x2e: {  	v19 =	vld [tilespmem:s24+$0x0];
	v14 =	vadd.f32 v11, v14;
	v11 =	vmul.f32 v12, v7;
	(pc) =	sbr.rel @p1 .LBB2_3-.Ltmp2, $4  }
0x2f: {  	v18 =	vld [tilespmem:s24+$0x80];
	v4 =	vadd.f32 v13, v4;
	v12 =	vmul.f32 v20, v7  }
0x30: {  	v15 =	vld [tilespmem:s24+$0x100];
	v6 =	vadd.f32 v11, v6;
	v11 =	vmul.f32 v21, v7  }
0x31: {  	s29 =	sadd.s32 $0x1, s29;
	v13 =	vld [tilespmem:s24+$0x180];
	v8 =	vadd.f32 v12, v8;
	v7 =	vmov v9  }
0x32: {  	s25 =	sand.u32 $0x7, s29;
	s31 =	sand.u32 $0x70, s30;
	s30 =	sadd.s32 $0x10, s30;
	v12 =	vld [tilespmem:s24+$0x200];
	v9 =	vmul.f32 v22, v7;
	v10 =	vadd.f32 v11, v10  }
0x33: {  	s26 =	sadd.s32 $0x80, s26  }
0x34: {  	s28 =	sadd.s32 $0x10, s28;
	s3 =	sand.u32 $0x3C00, s26  }
0x35: {  	v11 =	vld [tilespmem:s28+$0x0];
	s28 =	sor.u32 s31, s3  }
0x36: {  	v20 =	vld [tilespmem:s28+$0x0];
	_ =	sdelay $0x2  }
0x37: {  	v19 =	vmul.f32 v19, v7;
	_ =	sdelay $0x1  }
0x38: {  	v17 =	vadd.f32 v19, v17;
	v19 =	vmul.f32 v20, v11;
	_ =	sdelay $0x1  }
0x39: {  	v17 =	vadd.f32 v19, v17;
	_ =	sdelay $0x1  }
0x3a: {  	v19 =	vperm.xlane v17, v0;
	_ =	sdelay $0x1  }
0x3b: {  	v17 =	vadd.f32 v19, v17;
	_ =	sdelay $0x1  }
0x3c: {  	v19 =	vld [tilespmem:s28+$0x80];
	v63 =	vperm.xlane v17, v1;
	_ =	sdelay $0x1  }
0x3d: {  	v17 =	vadd.f32 v63, v17  }
0x3e: {  	v18 =	vmul.f32 v18, v7  }
0x3f: {  	v20 =	vperm.xlane v17, v2  }
0x40: {  	v16 =	vadd.f32 v18, v16;
	v18 =	vmul.f32 v19, v11  }
0x41: {  	v17 =	vadd.f32 v20, v17  }
0x42: {  	v16 =	vadd.f32 v18, v16  }
0x43: {  	v18 =	vperm.xlane v17, v3  }
0x44: {  	v19 =	vperm.xlane v16, v0  }
0x45: {  	v17 =	vadd.f32 v18, v17  }
0x46: {  	v16 =	vadd.f32 v19, v16  }
0x47: {  	v17 =	vand.u32 $0x7FFFFFFF, v17  }
0x48: {  	v18 =	vld [tilespmem:s28+$0x100];
	v19 =	vperm.xlane v16, v1;
	v17 =	vsub.f32 $0.0e+00, v17;
	_ =	sdelay $0x1  }
0x49: {  	v16 =	vadd.f32 v19, v16;
	v17 =	vmul.f32 $1.442695020e+00, v17  }
0x4a: {  	v15 =	vmul.f32 v15, v7  }
0x4b: {  	(erf) = vpow2.f32 v17;
	v17 =	vperm.xlane v16, v2  }
0x4c: {  	v14 =	vadd.f32 v15, v14;
	v15 =	vmul.f32 v18, v11  }
0x4d: {  	v16 =	vadd.f32 v17, v16  }
0x4e: {  	v14 =	vadd.f32 v15, v14  }
0x4f: {  	v15 =	vperm.xlane v16, v3  }
0x50: {  	v17 =	vperm.xlane v14, v0  }
0x51: {  	v15 =	vadd.f32 v15, v16  }
0x52: {  	v14 =	vadd.f32 v17, v14  }
0x53: {  	v15 =	vand.u32 $0x7FFFFFFF, v15  }
0x54: {  	v16 =	vld [tilespmem:s28+$0x180];
	v18 =	vperm.xlane v14, v1;
	v17 =	vpop (erf);
	v15 =	vsub.f32 $0.0e+00, v15  }
0x55: {  	v17 =	vadd.f32 $1.000000000e+00, v17  }
0x56: {  	v14 =	vadd.f32 v18, v14;
	v15 =	vmul.f32 $1.442695020e+00, v15  }
0x57: {  	v13 =	vmul.f32 v13, v7;
	(erf) = vrcp.f32 v17  }
0x58: {  	(erf) = vpow2.f32 v15;
	v15 =	vperm.xlane v14, v2  }
0x59: {  	v4 =	vadd.f32 v13, v4;
	v13 =	vmul.f32 v16, v11  }
0x5a: {  	v14 =	vadd.f32 v15, v14  }
0x5b: {  	v4 =	vadd.f32 v13, v4  }
0x5c: {  	v13 =	vperm.xlane v14, v3  }
0x5d: {  	v15 =	vperm.xlane v4, v0  }
0x5e: {  	v13 =	vadd.f32 v13, v14  }
0x5f: {  	v14 =	vadd.f32 v15, v4  }
0x60: {  	v4 =	vpop (erf);
	v13 =	vand.u32 $0x7FFFFFFF, v13  }
0x61: {  	v15 =	vld [tilespmem:s28+$0x200];
	v17 =	vperm.xlane v14, v1;
	v16 =	vpop (erf);
	v13 =	vsub.f32 $0.0e+00, v13  }
0x62: {  	v16 =	vadd.f32 $1.000000000e+00, v16  }
0x63: {  	v14 =	vadd.f32 v17, v14;
	v13 =	vmul.f32 $1.442695020e+00, v13  }
0x64: {  	v12 =	vmul.f32 v12, v7;
	(erf) = vrcp.f32 v16  }
0x65: {  	(erf) = vpow2.f32 v13;
	v13 =	vperm.xlane v14, v2  }
0x66: {  	v6 =	vadd.f32 v12, v6;
	v12 =	vmul.f32 v15, v11  }
0x67: {  	v13 =	vadd.f32 v13, v14  }
0x68: {  	v6 =	vadd.f32 v12, v6  }
0x69: {  	v12 =	vperm.xlane v13, v3  }
0x6a: {  	v14 =	vperm.xlane v6, v0  }
0x6b: {  	v12 =	vadd.f32 v12, v13  }
0x6c: {  	v14 =	vadd.f32 v14, v6;
	v13 =	vld [tilespmem:s24+$0x280]  }
0x6d: {  	v6 =	vpop (erf);
	v12 =	vand.u32 $0x7FFFFFFF, v12  }
0x6e: {  	v15 =	vld [tilespmem:s28+$0x280];
	v17 =	vperm.xlane v14, v1;
	v16 =	vpop (erf);
	v12 =	vsub.f32 $0.0e+00, v12  }
0x6f: {  	v16 =	vadd.f32 $1.000000000e+00, v16  }
0x70: {  	v14 =	vadd.f32 v17, v14;
	v12 =	vmul.f32 $1.442695020e+00, v12  }
0x71: {  	v13 =	vmul.f32 v13, v7;
	(erf) = vrcp.f32 v16  }
0x72: {  	(erf) = vpow2.f32 v12;
	v12 =	vperm.xlane v14, v2  }
0x73: {  	v8 =	vadd.f32 v13, v8;
	v13 =	vmul.f32 v15, v11  }
0x74: {  	v12 =	vadd.f32 v12, v14  }
0x75: {  	v8 =	vadd.f32 v13, v8  }
0x76: {  	v13 =	vperm.xlane v12, v3  }
0x77: {  	v14 =	vperm.xlane v8, v0  }
0x78: {  	v12 =	vadd.f32 v13, v12  }
0x79: {  	v13 =	vld [tilespmem:s24+$0x300];
	v14 =	vadd.f32 v14, v8  }
0x7a: {  	v8 =	vpop (erf);
	v12 =	vand.u32 $0x7FFFFFFF, v12  }
0x7b: {  	v15 =	vld [tilespmem:s28+$0x300];
	v17 =	vperm.xlane v14, v1;
	v16 =	vpop (erf);
	v12 =	vsub.f32 $0.0e+00, v12  }
0x7c: {  	v16 =	vadd.f32 $1.000000000e+00, v16  }
0x7d: {  	v14 =	vadd.f32 v17, v14;
	v12 =	vmul.f32 $1.442695020e+00, v12  }
0x7e: {  	v7 =	vmul.f32 v13, v7;
	(erf) = vrcp.f32 v16  }
0x7f: {  	(erf) = vpow2.f32 v12;
	v12 =	vperm.xlane v14, v2  }
0x80: {  	v7 =	vadd.f32 v7, v10;
	v10 =	vmul.f32 v15, v11  }
0x81: {  	v12 =	vadd.f32 v12, v14  }
0x82: {  	v7 =	vadd.f32 v10, v7  }
0x83: {  	v10 =	vperm.xlane v12, v3  }
0x84: {  	v13 =	vperm.xlane v7, v0  }
0x85: {  	s24 =	sshll.u32 s25, $0x4;
	v10 =	vadd.f32 v10, v12  }
0x86: {  	s3 =	sadd.s32 s24, s26;
	v12 =	vadd.f32 v13, v7  }
0x87: {  	s3 =	sor.u32 $0x380, s3;
	v7 =	vpop (erf);
	v10 =	vand.u32 $0x7FFFFFFF, v10  }
0x88: {  	v13 =	vld [tilespmem:s3+$0x0];
	v15 =	vperm.xlane v12, v1;
	v14 =	vpop (erf);
	v10 =	vsub.f32 $0.0e+00, v10  }
0x89: {  	v14 =	vadd.f32 $1.000000000e+00, v14  }
0x8a: {  	v12 =	vadd.f32 v15, v12;
	v10 =	vmul.f32 $1.442695020e+00, v10  }
0x8b: {  	(erf) = vrcp.f32 v14  }
0x8c: {  	(erf) = vpow2.f32 v10;
	v10 =	vperm.xlane v12, v2  }
0x8d: {  	v5 =	vadd.f32 v9, v5;
	v9 =	vmul.f32 v13, v11  }
0x8e: {  	v10 =	vadd.f32 v10, v12  }
0x8f: {  	v5 =	vadd.f32 v9, v5  }
0x90: {  	v9 =	vperm.xlane v10, v3  }
0x91: {  	v11 =	vperm.xlane v5, v0  }
0x92: {  	v9 =	vadd.f32 v9, v10  }
0x93: {  	v10 =	vadd.f32 v11, v5  }
0x94: {  	v5 =	vpop (erf);
	v9 =	vand.u32 $0x7FFFFFFF, v9  }
0x95: {  	v12 =	vperm.xlane v10, v1;
	v11 =	vpop (erf);
	v9 =	vsub.f32 $0.0e+00, v9  }
0x96: {  	v11 =	vadd.f32 $1.000000000e+00, v11  }
0x97: {  	v10 =	vadd.f32 v12, v10;
	v9 =	vmul.f32 $1.442695020e+00, v9  }
0x98: {  	(erf) = vrcp.f32 v11  }
0x99: {  	(erf) = vpow2.f32 v9;
	v9 =	vperm.xlane v10, v2;
	_ =	sdelay $0x1  }
0x9a: {  	v9 =	vadd.f32 v9, v10;
	_ =	sdelay $0x1  }
0x9b: {  	v10 =	vperm.xlane v9, v3;
	_ =	sdelay $0x1  }
0x9c: {  	v10 =	vadd.f32 v10, v9;
	_ =	sdelay $0x1  }
0x9d: {  	v9 =	vpop (erf);
	v10 =	vand.u32 $0x7FFFFFFF, v10  }
0x9e: {  	v11 =	vpop (erf);
	v10 =	vsub.f32 $0.0e+00, v10  }
0x9f: {  	v11 =	vadd.f32 $1.000000000e+00, v11  }
0xa0: {  	v10 =	vmul.f32 $1.442695020e+00, v10  }
0xa1: {  	(erf) = vrcp.f32 v11  }
0xa2: {  	s24 =	simm.s32 $0x0;
	(erf) = vpow2.f32 v10  }
0xa3: {  	s25 =	sand.u32 $0x70, s24;
	s26 =	sand.u32 $0x3C00, s24  }
0xa4: {  	s3 =	sor.u32 s25, s26  }
0xa5: {  	v11 =	vld [tilespmem:s3+$0x0]  }
0xa6: {  	v12 =	vld [tilespmem:s3+$0x80]  }
0xa7: {  	v13 =	vld [tilespmem:s3+$0x100]  }
0xa8: {  	v14 =	vld [tilespmem:s3+$0x180]  }
0xa9: {  	v15 =	vld [tilespmem:s3+$0x200]  }
0xaa: {  	v16 =	vld [tilespmem:s3+$0x280];
	v11 =	vmul.f32 v11, v4;
	v10 =	vpop (erf)  }
0xab: {  	v18 =	vld [tilespmem:s3+$0x300];
	v12 =	vmul.f32 v12, v6;
	v17 =	vpop (erf)  }
0xac: {  	[tilespmem:s3+$0x8000] =	vst v11;
	v11 =	vmul.f32 v13, v8;
	v17 =	vadd.f32 $1.000000000e+00, v17  }
0xad: {  	[tilespmem:s3+$0x8080] =	vst v12;
	v12 =	vmul.f32 v14, v7  }
0xae: {  	[tilespmem:s3+$0x8100] =	vst v11;
	v11 =	vmul.f32 v15, v5;
	(erf) = vrcp.f32 v17  }
0xaf: {  	s29 =	sand.u32 $0x7, s24;
	[tilespmem:s3+$0x8180] =	vst v12;
	v12 =	vmul.f32 v16, v9  }
0xb0: {  	s25 =	sshll.u32 s29, $0x4;
	[tilespmem:s3+$0x8200] =	vst v11;
	v11 =	vmul.f32 v18, v10  }
0xb1: {  	s25 =	sadd.s32 $0x0, s25;
	[tilespmem:s3+$0x8280] =	vst v12  }
0xb2: {  	s30 =	sor.u32 $0x380, s25;
	[tilespmem:s3+$0x8300] =	vst v11  }
0xb3: {  	v12 =	vld [tilespmem:s30+$0x0];
	_ =	sdelay $0x3  }
0xb4: {  	v11 =	vpop (erf)  }
0xb5: {  	s31 =	simm.s32 $0x10;
	s25 =	simm.s32 $0x80;
	v12 =	vmul.f32 v12, v11  }
0xb6: {  	s26 =	sand.u32 $0x70, s31;
	s28 =	sand.u32 $0x3C00, s25  }
0xb7: {  	s26 =	sor.u32 s26, s28;
	[tilespmem:s30+$0x8000] =	vst v12  }
0xb8: {  	v16 =	vld [tilespmem:s26+$0x0]  }
0xb9: {  	v15 =	vld [tilespmem:s26+$0x80]  }
0xba: {  	v14 =	vld [tilespmem:s26+$0x100]  }
0xbb: {  	v13 =	vld [tilespmem:s26+$0x180]  }
0xbc: {  	s28 =	simm.s32 $0x20;
	v12 =	vld [tilespmem:s26+$0x200]  }
.LBB2_5:
0xbd: {  	p1 =	sne.s32 s28, $0x7F0;
	v16 =	vmul.f32 v16, v4;
	v17 =	vld [tilespmem:s26+$0x280]  }
0xbe: {  	v15 =	vmul.f32 v15, v6;
	v18 =	vld [tilespmem:s26+$0x300]  }
0xbf: {  	[tilespmem:s26+$0x8000] =	vst v16;
	v14 =	vmul.f32 v14, v8  }
0xc0: {  	[tilespmem:s26+$0x8080] =	vst v15;
	v13 =	vmul.f32 v13, v7  }
0xc1: {  	s24 =	sadd.s32 $0x1, s24;
	[tilespmem:s26+$0x8100] =	vst v14;
	v12 =	vmul.f32 v12, v5  }
0xc2: {  	s3 =	sand.u32 $0x7, s24;
	[tilespmem:s26+$0x8180] =	vst v13;
	v13 =	vmul.f32 v17, v9  }
0xc3: {  	s3 =	sshll.u32 s3, $0x4;
	[tilespmem:s26+$0x8200] =	vst v12;
	v12 =	vmul.f32 v18, v10  }
0xc4: {  	s3 =	sadd.s32 s3, s25;
	[tilespmem:s26+$0x8280] =	vst v13  }
0xc5: {  	s3 =	sor.u32 $0x380, s3;
	[tilespmem:s26+$0x8300] =	vst v12  }
0xc6: {  	v12 =	vld [tilespmem:s3+$0x0];
	_ =	sdelay $0x4  }
0xc7: {  	s25 =	sadd.s32 $0x80, s25;
	v12 =	vmul.f32 v12, v11  }
0xc8: {  	s29 =	sand.u32 $0x3C00, s25;
	s26 =	sand.u32 $0x70, s28  }
0xc9: {  	s26 =	sor.u32 s26, s29;
	[tilespmem:s3+$0x8000] =	vst v12  }
.Ltmp3:
0xca: {  	v16 =	vld [tilespmem:s26+$0x0];
	(pc) =	sbr.rel @p1 .LBB2_5-.Ltmp3, $4  }
0xcb: {  	v15 =	vld [tilespmem:s26+$0x80]  }
0xcc: {  	v14 =	vld [tilespmem:s26+$0x100]  }
0xcd: {  	v13 =	vld [tilespmem:s26+$0x180]  }
0xce: {  	s28 =	sadd.s32 $0x10, s28;
	v12 =	vld [tilespmem:s26+$0x200]  }
0xcf: {  	v4 =	vmul.f32 v16, v4;
	v61 =	vld [tilespmem:s26+$0x280]  }
0xd0: {  	v62 =	vld [tilespmem:s26+$0x300];
	v6 =	vmul.f32 v15, v6  }
0xd1: {  	[tilespmem:s26+$0x8000] =	vst v4;
	v4 =	vmul.f32 v14, v8  }
0xd2: {  	[tilespmem:s26+$0x8080] =	vst v6;
	v63 =	vmul.f32 v13, v7  }
0xd3: {  	s3 =	sadd.s32 $0x1, s24;
	[tilespmem:s26+$0x8100] =	vst v4;
	v4 =	vmul.f32 v12, v5  }
0xd4: {  	s3 =	sand.u32 $0x7, s3;
	[tilespmem:s26+$0x8180] =	vst v63;
	v5 =	vmul.f32 v61, v9  }
0xd5: {  	s3 =	sshll.u32 s3, $0x4;
	[tilespmem:s26+$0x8200] =	vst v4;
	v4 =	vmul.f32 v62, v10  }
0xd6: {  	s3 =	sadd.s32 s3, s25;
	[tilespmem:s26+$0x8280] =	vst v5  }
0xd7: {  	s3 =	sor.u32 $0x380, s3;
	[tilespmem:s26+$0x8300] =	vst v4  }
0xd8: {  	v4 =	vld [tilespmem:s3+$0x0];
	_ =	sdelay $0x2  }
0xd9: {  	p1 =	sne.s32 s22, $0xF  }
.Ltmp4:
0xda: {  	_ = 	snop;
	(pc) =	sbr.rel @p1 .LBB2_8-.Ltmp4, $4  }
0xdb: {  	v4 =	vmul.f32 v4, v11  }
0xdc: {  	s24 =	sshll.u32 s22, $0xC  }
0xdd: {  	s31 =	sadd.s32 s24, s7;
	[tilespmem:s3+$0x8000] =	vst v4  }
0xde: {  	[hbm4b:s31+s2] =	stream.linear.scatter [tilespmem:s16], [sflag:$0x3], $0x4000, $0x38;
	[tilespmem:$0x10800] =	vst v63  }
.Ltmp5:
0xdf: {  	(pc) =	sbr.rel .LBB2_9-.Ltmp5, $4  }
0xe0: {  	_ = 	snop  }
0xe1: {  	_ =	swait.ge [sflag:s17], $0x4000  }
0xe2: {  	[sflag:s17] =	ssyncset.done $0x0  }
0xe3: {  	[sflag:s17] =	ssyncadd.s32 $0xFFFFC000  }
.LBB2_8:
0xe4: {  	s3 =	sadd.s32 s23, s8  }
0xe5: {  	s3 =	sshll.u32 s3, $0xB  }
0xe6: {  	s3 =	sand.u32 $0x1FFFF000, s3  }
.Ltmp6:
0xe7: {  	s3 =	sadd.s32 s0, s3;
	(pc) =	sbr.rel @p0 .LBB2_10-.Ltmp6, $4  }
0xe8: {  	[tilespmem:s2], [sflag:$0x1] =	stream.linear.gather [hbm4b:s3+s2], $0x4000, $0x38;
	[tilespmem:$0x10800] =	vst v63  }
0xe9: {  	_ =	swait.ge [sflag:s17], $0x4000  }
0xea: {  	[sflag:s17] =	ssyncset.done $0x0  }
0xeb: {  	[sflag:s17] =	ssyncadd.s32 $0xFFFFC000  }
.LBB2_9:
0xec: {  	_ =	swait.ge [sflag:s18], $0x4000  }
0xed: {  	[sflag:s18] =	ssyncset.done $0x0  }
0xee: {  	[sflag:s18] =	ssyncadd.s32 $0xFFFFC000  }
.LBB2_10:
0xef: {  	s3 =	simm.s32 $0x0  }
0xf0: {  	s25 =	simm.s32 $0x10000;
	s26 =	sand.u32 $0x70, s3;
	s3 =	sand.u32 $0x3C00, s3  }
0xf1: {  	v7 =	vld [tilespmem:s25+$0x0];
	s3 =	sor.u32 s26, s3  }
0xf2: {  	v4 =	vld [tilespmem:s3+$0x4380]  }
0xf3: {  	v5 =	vld [tilespmem:s3+$0x4000]  }
0xf4: {  	v6 =	vld [tilespmem:s3+$0x4080];
	_ =	sdelay $0x1  }
0xf5: {  	v16 =	vld [tilespmem:s3+$0x4100]  }
0xf6: {  	v17 =	vimm.f32 $0.0e+00;
	v18 =	vimm.f32 $0.0e+00;
	v14 =	vld [tilespmem:s3+$0x4180]  }
0xf7: {  	v15 =	vimm.f32 $0.0e+00;
	v8 =	vimm.f32 $0.0e+00;
	v13 =	vld [tilespmem:s3+$0x4200];
	v4 =	vmul.f32 v4, v7  }
0xf8: {  	s28 =	simm.s32 $0x10;
	v9 =	vimm.f32 $0.0e+00;
	s25 =	simm.s32 $0x10010;
	s26 =	simm.s32 $0x80;
	v12 =	vld [tilespmem:s3+$0x4280];
	v20 =	vmul.f32 v5, v7;
	v19 =	vmul.f32 v6, v7  }
0xf9: {  	s29 =	sand.u32 $0x70, s28;
	s28 =	simm.s32 $0x20;
	s30 =	sand.u32 $0x3C00, s26;
	v10 =	vld [tilespmem:s3+$0x4300];
	v6 =	vimm.f32 $0.0e+00;
	v5 =	vadd.f32 v4, v17;
	v4 =	vimm.f32 $0.0e+00  }
.LBB2_11:
0xfa: {  	p0 =	sne.s32 s28, $0x7F0;
	v11 =	vld [tilespmem:s25+$0x0];
	s3 =	sor.u32 s29, s30;
	v17 =	vadd.f32 v20, v17;
	v16 =	vmul.f32 v16, v7  }
0xfb: {  	v20 =	vld [tilespmem:s3+$0x4380];
	v18 =	vadd.f32 v19, v18;
	v14 =	vmul.f32 v14, v7  }
0xfc: {  	v19 =	vld [tilespmem:s3+$0x4000];
	v15 =	vadd.f32 v16, v15;
	v13 =	vmul.f32 v13, v7  }
0xfd: {  	v21 =	vld [tilespmem:s3+$0x4080];
	v4 =	vadd.f32 v14, v4;
	v12 =	vmul.f32 v12, v7  }
.Ltmp7:
0xfe: {  	v16 =	vld [tilespmem:s3+$0x4100];
	v6 =	vadd.f32 v13, v6;
	v10 =	vmul.f32 v10, v7;
	(pc) =	sbr.rel @p0 .LBB2_11-.Ltmp7, $4  }
0xff: {  	v14 =	vld [tilespmem:s3+$0x4180];
	v8 =	vadd.f32 v12, v8;
	v7 =	vmov v11  }
0x100: {  	v13 =	vld [tilespmem:s3+$0x4200];
	v11 =	vmul.f32 v20, v7;
	v9 =	vadd.f32 v10, v9  }
0x101: {  	s26 =	sadd.s32 $0x80, s26;
	s25 =	sadd.s32 $0x10, s25;
	v20 =	vmul.f32 v19, v7;
	v12 =	vld [tilespmem:s3+$0x4280]  }
0x102: {  	s29 =	sand.u32 $0x70, s28;
	s28 =	sadd.s32 $0x10, s28;
	s30 =	sand.u32 $0x3C00, s26;
	v19 =	vmul.f32 v21, v7;
	v10 =	vld [tilespmem:s3+$0x4300];
	v5 =	vadd.f32 v11, v5  }
0x103: {  	v11 =	vld [tilespmem:s25+$0x0];
	s26 =	sor.u32 s29, s30  }
0x104: {  	v21 =	vld [tilespmem:s26+$0x4000];
	_ =	sdelay $0x4  }
0x105: {  	v17 =	vadd.f32 v20, v17;
	v60 =	vmul.f32 v21, v11;
	_ =	sdelay $0x1  }
0x106: {  	v17 =	vadd.f32 v60, v17;
	_ =	sdelay $0x1  }
0x107: {  	v20 =	vperm.xlane v17, v0;
	_ =	sdelay $0x1  }
0x108: {  	v17 =	vadd.f32 v20, v17;
	_ =	sdelay $0x1  }
0x109: {  	v61 =	vld [tilespmem:s26+$0x4080];
	v62 =	vperm.xlane v17, v1;
	_ =	sdelay $0x1  }
0x10a: {  	v17 =	vadd.f32 v62, v17;
	_ =	sdelay $0x1  }
0x10b: {  	v21 =	vperm.xlane v17, v2  }
0x10c: {  	v18 =	vadd.f32 v19, v18;
	v19 =	vmul.f32 v61, v11  }
0x10d: {  	v17 =	vadd.f32 v21, v17  }
0x10e: {  	v18 =	vadd.f32 v19, v18  }
0x10f: {  	v19 =	vperm.xlane v17, v3  }
0x110: {  	v63 =	vperm.xlane v18, v0  }
0x111: {  	v17 =	vadd.f32 v19, v17  }
0x112: {  	v18 =	vadd.f32 v63, v18  }
0x113: {  	v17 =	vand.u32 $0x7FFFFFFF, v17  }
0x114: {  	v20 =	vperm.xlane v18, v1;
	v19 =	vld [tilespmem:s26+$0x4100];
	v17 =	vsub.f32 $0.0e+00, v17;
	_ =	sdelay $0x1  }
0x115: {  	v18 =	vadd.f32 v20, v18;
	v17 =	vmul.f32 $1.442695020e+00, v17  }
0x116: {  	v16 =	vmul.f32 v16, v7  }
0x117: {  	(erf) = vpow2.f32 v17;
	v17 =	vperm.xlane v18, v2  }
0x118: {  	v15 =	vadd.f32 v16, v15;
	v16 =	vmul.f32 v19, v11  }
0x119: {  	v17 =	vadd.f32 v17, v18  }
0x11a: {  	v15 =	vadd.f32 v16, v15  }
0x11b: {  	v16 =	vperm.xlane v17, v3  }
0x11c: {  	v18 =	vperm.xlane v15, v0  }
0x11d: {  	v16 =	vadd.f32 v16, v17  }
0x11e: {  	v15 =	vadd.f32 v18, v15  }
0x11f: {  	v16 =	vand.u32 $0x7FFFFFFF, v16  }
0x120: {  	v17 =	vld [tilespmem:s26+$0x4180];
	v19 =	vperm.xlane v15, v1;
	v18 =	vpop (erf);
	v16 =	vsub.f32 $0.0e+00, v16  }
0x121: {  	v18 =	vadd.f32 $1.000000000e+00, v18  }
0x122: {  	v15 =	vadd.f32 v19, v15;
	v16 =	vmul.f32 $1.442695020e+00, v16  }
0x123: {  	v14 =	vmul.f32 v14, v7;
	(erf) = vrcp.f32 v18  }
0x124: {  	(erf) = vpow2.f32 v16;
	v16 =	vperm.xlane v15, v2  }
0x125: {  	v4 =	vadd.f32 v14, v4;
	v14 =	vmul.f32 v17, v11  }
0x126: {  	v15 =	vadd.f32 v16, v15  }
0x127: {  	v4 =	vadd.f32 v14, v4  }
0x128: {  	v14 =	vperm.xlane v15, v3  }
0x129: {  	v16 =	vperm.xlane v4, v0  }
0x12a: {  	v14 =	vadd.f32 v14, v15  }
0x12b: {  	v15 =	vadd.f32 v16, v4  }
0x12c: {  	v4 =	vpop (erf);
	v14 =	vand.u32 $0x7FFFFFFF, v14  }
0x12d: {  	v16 =	vld [tilespmem:s26+$0x4200];
	v18 =	vperm.xlane v15, v1;
	v17 =	vpop (erf);
	v14 =	vsub.f32 $0.0e+00, v14  }
0x12e: {  	v17 =	vadd.f32 $1.000000000e+00, v17  }
0x12f: {  	v15 =	vadd.f32 v18, v15;
	v14 =	vmul.f32 $1.442695020e+00, v14  }
0x130: {  	v13 =	vmul.f32 v13, v7;
	(erf) = vrcp.f32 v17  }
0x131: {  	(erf) = vpow2.f32 v14;
	v14 =	vperm.xlane v15, v2  }
0x132: {  	v6 =	vadd.f32 v13, v6;
	v13 =	vmul.f32 v16, v11  }
0x133: {  	v14 =	vadd.f32 v14, v15  }
0x134: {  	v6 =	vadd.f32 v13, v6  }
0x135: {  	v13 =	vperm.xlane v14, v3  }
0x136: {  	v15 =	vperm.xlane v6, v0  }
0x137: {  	v13 =	vadd.f32 v13, v14  }
0x138: {  	v14 =	vadd.f32 v15, v6  }
0x139: {  	v6 =	vpop (erf);
	v13 =	vand.u32 $0x7FFFFFFF, v13  }
0x13a: {  	v15 =	vld [tilespmem:s26+$0x4280];
	v17 =	vperm.xlane v14, v1;
	v16 =	vpop (erf);
	v13 =	vsub.f32 $0.0e+00, v13  }
0x13b: {  	v16 =	vadd.f32 $1.000000000e+00, v16  }
0x13c: {  	v14 =	vadd.f32 v17, v14;
	v13 =	vmul.f32 $1.442695020e+00, v13  }
0x13d: {  	v12 =	vmul.f32 v12, v7;
	(erf) = vrcp.f32 v16  }
0x13e: {  	(erf) = vpow2.f32 v13;
	v13 =	vperm.xlane v14, v2  }
0x13f: {  	v8 =	vadd.f32 v12, v8;
	v12 =	vmul.f32 v15, v11  }
0x140: {  	v13 =	vadd.f32 v13, v14  }
0x141: {  	v8 =	vadd.f32 v12, v8  }
0x142: {  	v12 =	vperm.xlane v13, v3  }
0x143: {  	v14 =	vperm.xlane v8, v0  }
0x144: {  	v12 =	vadd.f32 v12, v13  }
0x145: {  	v13 =	vadd.f32 v14, v8  }
0x146: {  	v8 =	vpop (erf);
	v12 =	vand.u32 $0x7FFFFFFF, v12  }
0x147: {  	v14 =	vld [tilespmem:s26+$0x4300];
	v16 =	vperm.xlane v13, v1;
	v15 =	vpop (erf);
	v12 =	vsub.f32 $0.0e+00, v12  }
0x148: {  	v15 =	vadd.f32 $1.000000000e+00, v15  }
0x149: {  	v13 =	vadd.f32 v16, v13;
	v12 =	vmul.f32 $1.442695020e+00, v12  }
0x14a: {  	v7 =	vmul.f32 v10, v7;
	(erf) = vrcp.f32 v15  }
0x14b: {  	v10 =	vperm.xlane v13, v2;
	(erf) = vpow2.f32 v12  }
0x14c: {  	v7 =	vadd.f32 v7, v9;
	v9 =	vmul.f32 v14, v11  }
0x14d: {  	v10 =	vadd.f32 v10, v13  }
0x14e: {  	v7 =	vadd.f32 v9, v7  }
0x14f: {  	v9 =	vperm.xlane v10, v3  }
0x150: {  	v12 =	vperm.xlane v7, v0  }
0x151: {  	v9 =	vadd.f32 v9, v10  }
0x152: {  	v10 =	vadd.f32 v12, v7  }
0x153: {  	v9 =	vand.u32 $0x7FFFFFFF, v9;
	v7 =	vpop (erf)  }
0x154: {  	v12 =	vld [tilespmem:s26+$0x4380];
	v14 =	vperm.xlane v10, v1;
	v9 =	vsub.f32 $0.0e+00, v9;
	v13 =	vpop (erf)  }
0x155: {  	v13 =	vadd.f32 $1.000000000e+00, v13  }
0x156: {  	v10 =	vadd.f32 v14, v10;
	v9 =	vmul.f32 $1.442695020e+00, v9  }
0x157: {  	(erf) = vrcp.f32 v13  }
0x158: {  	(erf) = vpow2.f32 v9;
	v9 =	vperm.xlane v10, v2  }
0x159: {  	v11 =	vmul.f32 v12, v11  }
0x15a: {  	v9 =	vadd.f32 v9, v10  }
0x15b: {  	v5 =	vadd.f32 v11, v5  }
0x15c: {  	v10 =	vperm.xlane v9, v3  }
0x15d: {  	v11 =	vperm.xlane v5, v0  }
0x15e: {  	v9 =	vadd.f32 v10, v9  }
0x15f: {  	v10 =	vadd.f32 v11, v5  }
0x160: {  	v5 =	vpop (erf);
	v9 =	vand.u32 $0x7FFFFFFF, v9  }
0x161: {  	v12 =	vperm.xlane v10, v1;
	v11 =	vpop (erf);
	v9 =	vsub.f32 $0.0e+00, v9  }
0x162: {  	v11 =	vadd.f32 $1.000000000e+00, v11  }
0x163: {  	v10 =	vadd.f32 v12, v10;
	v9 =	vmul.f32 $1.442695020e+00, v9  }
0x164: {  	(erf) = vrcp.f32 v11  }
0x165: {  	(erf) = vpow2.f32 v9;
	v9 =	vperm.xlane v10, v2;
	_ =	sdelay $0x1  }
0x166: {  	v9 =	vadd.f32 v9, v10;
	_ =	sdelay $0x1  }
0x167: {  	v10 =	vperm.xlane v9, v3;
	_ =	sdelay $0x1  }
0x168: {  	v10 =	vadd.f32 v10, v9;
	_ =	sdelay $0x1  }
0x169: {  	v9 =	vpop (erf);
	v10 =	vand.u32 $0x7FFFFFFF, v10  }
0x16a: {  	v11 =	vpop (erf);
	v10 =	vsub.f32 $0.0e+00, v10  }
0x16b: {  	v11 =	vadd.f32 $1.000000000e+00, v11  }
0x16c: {  	v10 =	vmul.f32 $1.442695020e+00, v10  }
0x16d: {  	(erf) = vrcp.f32 v11  }
0x16e: {  	s25 =	simm.s32 $0x0;
	(erf) = vpow2.f32 v10  }
0x16f: {  	s3 =	sand.u32 $0x70, s25;
	s26 =	sand.u32 $0x3C00, s25  }
0x170: {  	s3 =	sor.u32 s3, s26  }
0x171: {  	v11 =	vld [tilespmem:s3+$0x4000]  }
0x172: {  	v12 =	vld [tilespmem:s3+$0x4080]  }
0x173: {  	v13 =	vld [tilespmem:s3+$0x4100]  }
0x174: {  	v14 =	vld [tilespmem:s3+$0x4180]  }
0x175: {  	v15 =	vld [tilespmem:s3+$0x4200]  }
0x176: {  	v16 =	vld [tilespmem:s3+$0x4280];
	v11 =	vmul.f32 v11, v4;
	v10 =	vpop (erf)  }
0x177: {  	v18 =	vld [tilespmem:s3+$0x4300];
	v12 =	vmul.f32 v12, v6;
	v17 =	vpop (erf)  }
0x178: {  	[tilespmem:s3+$0xC000] =	vst v11;
	v11 =	vmul.f32 v13, v8;
	v17 =	vadd.f32 $1.000000000e+00, v17  }
0x179: {  	[tilespmem:s3+$0xC080] =	vst v12;
	v12 =	vmul.f32 v14, v7  }
0x17a: {  	[tilespmem:s3+$0xC100] =	vst v11;
	v11 =	vmul.f32 v15, v5;
	(erf) = vrcp.f32 v17  }
0x17b: {  	s30 =	sand.u32 $0x7, s25;
	[tilespmem:s3+$0xC180] =	vst v12;
	v12 =	vmul.f32 v16, v9  }
0x17c: {  	s26 =	sshll.u32 s30, $0x4;
	[tilespmem:s3+$0xC200] =	vst v11;
	v11 =	vmul.f32 v18, v10  }
0x17d: {  	s26 =	sadd.s32 $0x0, s26;
	[tilespmem:s3+$0xC280] =	vst v12  }
0x17e: {  	s31 =	sor.u32 $0x4380, s26;
	[tilespmem:s3+$0xC300] =	vst v11  }
0x17f: {  	v12 =	vld [tilespmem:s31+$0x0];
	_ =	sdelay $0x3  }
0x180: {  	v11 =	vpop (erf)  }
0x181: {  	s28 =	simm.s32 $0x10;
	s26 =	simm.s32 $0x80;
	v12 =	vmul.f32 v12, v11  }
0x182: {  	s28 =	sand.u32 $0x70, s28;
	s29 =	sand.u32 $0x3C00, s26  }
0x183: {  	s28 =	sor.u32 s28, s29;
	[tilespmem:s31+$0x8000] =	vst v12  }
0x184: {  	v16 =	vld [tilespmem:s28+$0x4000]  }
0x185: {  	v15 =	vld [tilespmem:s28+$0x4080]  }
0x186: {  	v14 =	vld [tilespmem:s28+$0x4100]  }
0x187: {  	v13 =	vld [tilespmem:s28+$0x4180]  }
0x188: {  	s29 =	simm.s32 $0x20;
	v12 =	vld [tilespmem:s28+$0x4200]  }
.LBB2_13:
0x189: {  	p0 =	sne.s32 s29, $0x7F0;
	v16 =	vmul.f32 v16, v4;
	v17 =	vld [tilespmem:s28+$0x4280]  }
0x18a: {  	v15 =	vmul.f32 v15, v6;
	v18 =	vld [tilespmem:s28+$0x4300]  }
0x18b: {  	[tilespmem:s28+$0xC000] =	vst v16;
	v14 =	vmul.f32 v14, v8  }
0x18c: {  	[tilespmem:s28+$0xC080] =	vst v15;
	v13 =	vmul.f32 v13, v7  }
0x18d: {  	s25 =	sadd.s32 $0x1, s25;
	[tilespmem:s28+$0xC100] =	vst v14;
	v12 =	vmul.f32 v12, v5  }
0x18e: {  	s3 =	sand.u32 $0x7, s25;
	[tilespmem:s28+$0xC180] =	vst v13;
	v13 =	vmul.f32 v17, v9  }
0x18f: {  	s3 =	sshll.u32 s3, $0x4;
	[tilespmem:s28+$0xC200] =	vst v12;
	v12 =	vmul.f32 v18, v10  }
0x190: {  	s3 =	sadd.s32 s3, s26;
	[tilespmem:s28+$0xC280] =	vst v13  }
0x191: {  	s3 =	sor.u32 $0x4380, s3;
	[tilespmem:s28+$0xC300] =	vst v12  }
0x192: {  	v12 =	vld [tilespmem:s3+$0x0];
	_ =	sdelay $0x4  }
0x193: {  	s26 =	sadd.s32 $0x80, s26;
	v12 =	vmul.f32 v12, v11  }
0x194: {  	s30 =	sand.u32 $0x3C00, s26;
	s28 =	sand.u32 $0x70, s29  }
0x195: {  	s28 =	sor.u32 s28, s30;
	[tilespmem:s3+$0x8000] =	vst v12  }
.Ltmp8:
0x196: {  	v16 =	vld [tilespmem:s28+$0x4000];
	(pc) =	sbr.rel @p0 .LBB2_13-.Ltmp8, $4  }
0x197: {  	v15 =	vld [tilespmem:s28+$0x4080]  }
0x198: {  	v14 =	vld [tilespmem:s28+$0x4100]  }
0x199: {  	v13 =	vld [tilespmem:s28+$0x4180]  }
0x19a: {  	s29 =	sadd.s32 $0x10, s29;
	v12 =	vld [tilespmem:s28+$0x4200]  }
0x19b: {  	v4 =	vmul.f32 v16, v4;
	v61 =	vld [tilespmem:s28+$0x4280]  }
0x19c: {  	v62 =	vld [tilespmem:s28+$0x4300];
	v6 =	vmul.f32 v15, v6  }
0x19d: {  	[tilespmem:s28+$0xC000] =	vst v4;
	v4 =	vmul.f32 v14, v8  }
0x19e: {  	[tilespmem:s28+$0xC080] =	vst v6;
	v63 =	vmul.f32 v13, v7  }
0x19f: {  	s3 =	sadd.s32 $0x1, s25;
	[tilespmem:s28+$0xC100] =	vst v4;
	v4 =	vmul.f32 v12, v5  }
0x1a0: {  	s3 =	sand.u32 $0x7, s3;
	[tilespmem:s28+$0xC180] =	vst v63;
	v5 =	vmul.f32 v61, v9  }
0x1a1: {  	s3 =	sshll.u32 s3, $0x4;
	[tilespmem:s28+$0xC200] =	vst v4;
	v4 =	vmul.f32 v62, v10  }
0x1a2: {  	s3 =	sadd.s32 s3, s26;
	[tilespmem:s28+$0xC280] =	vst v5  }
0x1a3: {  	s3 =	sor.u32 $0x4380, s3;
	[tilespmem:s28+$0xC300] =	vst v4  }
0x1a4: {  	v4 =	vld [tilespmem:s3+$0x0];
	_ =	sdelay $0x2  }
0x1a5: {  	p0 =	seq.s32 s22, $0xF  }
.Ltmp9:
0x1a6: {  	_ = 	snop;
	(pc) =	sbr.rel @p0 .LBB2_16-.Ltmp9, $3  }
0x1a7: {  	v4 =	vmul.f32 v4, v11;
	_ =	sdelay $0x1  }
0x1a8: {  	s31 =	sadd.s32 s11, s24;
	[tilespmem:s3+$0x8000] =	vst v4  }
0x1a9: {  	[hbm4b:s31+s2] =	stream.linear.scatter [tilespmem:s19], [sflag:$0x4], $0x4000, $0x38;
	[tilespmem:$0x10800] =	vst v63  }
.Ltmp10:
0x1aa: {  	(pc) =	sbr.rel .LBB2_2-.Ltmp10, $4  }
0x1ab: {  	s3 =	sadd.s32 s23, s9  }
0x1ac: {  	s3 =	sshll.u32 s3, $0xB  }
0x1ad: {  	s22 =	sadd.s32 $0x1, s22;
	s3 =	sadd.s32 s0, s3  }
0x1ae: {  	[tilespmem:s14], [sflag:$0x2] =	stream.linear.gather [hbm4b:s3+s2], $0x4000, $0x38;
	[tilespmem:$0x10800] =	vst v63  }
.LBB2_17:
0x1af: {  	_ =	sfence.sel $0x180000  }
0x1b0: {  	[bflag:$0x0] =	sbarrier.arrive $0xFFFF  }
0x1b1: {  	_ =	strace $0x90000047  }
0x1b2: {  	[bflag:$0x2] =	sbarrier.arrive $0xFFFF  }
0x1b3: {  	p0 =	sne.s32 s1, $0x0;
	s0 =	rddreg [dreg:$0x3]  }
0x1b4: {  	s0 =	sadd.s32 @!p0 $0x100000, s0  }
0x1b5: {  	[sflag:s0] =	ssyncadd.tile.s32 @!p0 $0x1;
	_ =	shalt  }
.Lfunc_end2:
_tile_overlayer_lowered:
.L_overlay_start_2:
0x1b6: {  	(tag) =	ssettag $0x2  }
0x1b7: {  	s0 =	rddreg [dreg:$0x0];
	s2 =	stileid.u32  }
0x1b8: {  	s1 =	rddreg [dreg:$0x1];
	p0 =	sne.s32 s2, $0x0  }
0x1b9: {  	s3 =	rddreg [dreg:$0x2];
	[bflag:$0x3] =	sbarrier.arrive $0xFFFF;
	s2 =	simm.s32 @!p0 $0x1C05  }
0x1ba: {  	[timem:s3], [sflag:s2] =	dma.local @!p0 [hbm:s0], s1  }
0x1bb: {  	s0 =	simm.s32 @!p0 $0x5  }
0x1bc: {  	_ =	swait.ge @!p0 [sflag:s0], s1  }
0x1bd: {  	s1 =	ssub.s32 @!p0 $0x0, s1;
	[sflag:s0] =	ssyncset.done @!p0 $0x0  }
0x1be: {  	[sflag:s0] =	ssyncadd.s32 @!p0 s1  }
0x1bf: {  	[bflag:$0x3] =	sbarrier.arrive $0xFFFF  }
0x1c0: {  	_ =	shalt  }

</sc_bundles>
